<compile_context>
chip_gen: v7x
topology: tpu7x:2x2x1
jax: 0.10.2.dev20260603
libtpu: 0.0.44.dev20260713+nightly
codegen_flags: <defaults>
</compile_context>

<pallas_src>
import functools

import jax
import jax.numpy as jnp
from jax import lax
from jax.experimental import pallas as pl
from jax.experimental.pallas import tpu as pltpu
from jax.experimental.pallas import tpu_sc as plsc

NC = 1
NS = 16
NW = NC * NS
CHUNK = 128


def _hist_body(k2, bpw2, ids_hbm, zeros_hbm, ones_hbm, out_hbm,
               idx_v, ones_v, zbuf_v, sh, sem):
    c = lax.axis_index("c")
    s = lax.axis_index("s")
    w = c * NS + s
    d1 = pltpu.async_copy(ones_hbm, ones_v, sem)
    d2 = pltpu.async_copy(zeros_hbm, zbuf_v, sem)
    d3 = pltpu.async_copy(ids_hbm.at[w], idx_v, sem)
    d2.wait()
    d4 = pltpu.async_copy(zbuf_v, sh.at[pl.ds(s * bpw2, bpw2)], sem)
    d1.wait()
    d3.wait()
    d4.wait()
    plsc.subcore_barrier()
    descs = [pltpu.async_copy(ones_v, sh.at[idx_v.at[j]], sem, add=True)
             for j in range(k2)]
    for dsc in descs:
        dsc.wait()
    plsc.subcore_barrier()
    off = c * NS * bpw2 + s * bpw2
    d5 = pltpu.async_copy(sh.at[pl.ds(s * bpw2, bpw2)],
                          out_hbm.at[pl.ds(off, bpw2)], sem)
    d5.wait()


def _loss_body(ns, *args):
    tgt_ref = args[0]
    x_refs = args[1:1 + ns]
    c_refs = args[1 + ns:1 + 3 * ns]
    out_ref = args[-1]
    i = pl.program_id(0)

    @pl.when(i == 0)
    def _init():
        out_ref[0, 0] = 0.0

    t0 = tgt_ref[0, :][None, :]
    t1 = tgt_ref[1, :][None, :]
    dn = (((0,), (0,)), ((), ()))
    acc = jnp.float32(0.0)
    for s in range(ns):
        x = x_refs[s][0]
        cp_r, cm_r = c_refs[2 * s:2 * s + 2]
        rp = jnp.maximum(t0 - x, 0.0).astype(jnp.bfloat16)
        rm = jnp.maximum(x - t1, 0.0).astype(jnp.bfloat16)
        cp = cp_r[0, 0, 0, :].astype(jnp.bfloat16)
        cm = cm_r[0, 0, 0, :].astype(jnp.bfloat16)
        pp = lax.dot_general(cp, rp, dn,
                             preferred_element_type=jnp.float32)
        pm = lax.dot_general(cm, rm, dn,
                             preferred_element_type=jnp.float32)
        acc += jnp.sum(pp) + jnp.sum(pm)
    out_ref[0, 0] += acc


def kernel(input, target, ids_plus, ids_minus, start_id=0):
    n, d = input.shape
    p = ids_plus.shape[0]
    m = ids_minus.shape[0]

    k = -(-max(p, m) // (NW * CHUNK))
    bpw = -(-(n + CHUNK) // (NS * 128)) * 128
    nbins = NS * bpw
    sentinel = n

    total = NW * k * CHUNK

    def pad(ids, cnt, off):
        flat = jnp.concatenate([ids.astype(jnp.int32) + off,
                                jnp.full((total - cnt,), sentinel + off,
                                         jnp.int32)])
        return flat.reshape(NW, k, CHUNK)

    ids = jnp.concatenate([pad(ids_plus, p, 0),
                           pad(ids_minus, m, nbins)], axis=1)
    zeros = jnp.zeros((2 * bpw,), jnp.float32)
    ones = jnp.ones((CHUNK,), jnp.float32)

    mesh = plsc.VectorSubcoreMesh(core_axis_name="c", subcore_axis_name="s",
                                  num_cores=NC, num_subcores=NS)
    hist = pl.kernel(
        functools.partial(_hist_body, 2 * k, 2 * bpw),
        out_type=jax.ShapeDtypeStruct((NC * 2 * nbins,), jnp.float32),
        mesh=mesh,
        scratch_types=[
            pltpu.VMEM((2 * k, CHUNK), jnp.int32),
            pltpu.VMEM((CHUNK,), jnp.float32),
            pltpu.VMEM((2 * bpw,), jnp.float32),
            pltpu.VMEM_SHARED((2 * nbins,), jnp.float32),
            pltpu.SemaphoreType.DMA,
        ],
    )
    flat = hist(ids, zeros, ones)

    ns = 2
    rs = n // ns
    blk = next(b for b in (5000, 4000, 2000, 1000, 400, 200, 80, 40, 16, 8, 4, 2, 1)
               if rs % b == 0 and (b % 8 == 0 or b == rs))
    nblk = rs // blk

    x3 = input.reshape(ns, rs, d)

    cnt2 = flat.reshape(2, nbins)[:, :n]
    cp = cnt2[0].reshape(ns, nblk, 1, blk)
    cm = cnt2[1].reshape(ns, nblk, 1, blk)

    def xspec(s):
        return pl.BlockSpec((1, blk, d), lambda i, s=s: (s, i, 0))

    def cspec(s):
        return pl.BlockSpec((1, 1, 1, blk), lambda i, s=s: (s, i, 0, 0))

    in_specs = [pl.BlockSpec(target.shape, lambda i: (0, 0))]
    operands = [target]
    for s in range(ns):
        in_specs.append(xspec(s))
        operands.append(x3)
    for s in range(ns):
        in_specs += [cspec(s)] * 2
        operands += [cp, cm]

    out = pl.pallas_call(
        functools.partial(_loss_body, ns),
        grid=(nblk,),
        in_specs=in_specs,
        out_specs=pl.BlockSpec((1, 1), lambda i: (0, 0),
                               memory_space=pltpu.SMEM),
        out_shape=jax.ShapeDtypeStruct((1, 1), jnp.float32),
    )(*operands)
    return out[0, 0]

# --- scband reference (transcript-rebuilt; emitter-appended) ---
"""Pipeline reference for scband-loss-targets-68556267978823 (READ-ONLY COPY).

The authoritative reference and input builder live on the scoring server;
editing this copy changes nothing except your own understanding.
"""

import jax, jax.numpy as jnp
import numpy as np


def setup_inputs(seed: int = 0) -> dict:
    key = jax.random.key(seed)
    k1, k2, k3, k4 = jax.random.split(key, 4)
    inp = jax.random.normal(k1, (100000, 256), dtype=jnp.float32)
    target = jax.random.normal(k2, (8, 256), dtype=jnp.float32)
    ids_plus = jax.random.randint(k3, (50000,), 0, 100000, dtype=jnp.int64) if jax.config.jax_enable_x64 else jax.random.randint(k3, (50000,), 0, 100000).astype(jnp.int32)
    ids_minus = jax.random.randint(k4, (50000,), 0, 100000, dtype=jnp.int64) if jax.config.jax_enable_x64 else jax.random.randint(k4, (50000,), 0, 100000).astype(jnp.int32)
    return {"input": inp, "target": target, "ids_plus": ids_plus, "ids_minus": ids_minus, "start_id": 0}


def reference(input, target, ids_plus, ids_minus, start_id=0):
    # target[:, start_id:]
    t = jax.lax.dynamic_slice_in_dim(target, start_id, target.shape[1], axis=1)
    # torch.zeros(ids_plus.shape[0], dtype=int) -> gather row 0 of target, repeated
    zero_idx = jnp.zeros((ids_plus.shape[0],), dtype=jnp.int32)
    one_idx = jnp.ones((ids_minus.shape[0],), dtype=jnp.int32)
    t_plus = jnp.take(t, zero_idx, axis=0)            # [P, D']
    t_minus = jnp.take(t, one_idx, axis=0)            # [M, D']
    inp_plus = jax.lax.dynamic_slice_in_dim(jnp.take(input, ids_plus, axis=0), start_id, input.shape[1], axis=1)
    inp_minus = jax.lax.dynamic_slice_in_dim(jnp.take(input, ids_minus, axis=0), start_id, input.shape[1], axis=1)
    loss_plus = jnp.sum(jax.nn.relu(t_plus - inp_plus))
    loss_minus = jnp.sum(jax.nn.relu(-t_minus + inp_minus))
    return loss_plus + loss_minus

if __name__ == "__main__":
    import jax
    _d = setup_inputs()
    print(jax.jit(kernel)(*tuple(_d.values())))

</pallas_src>

<mosaic_0001>
#map = affine_map<(d0, d1) -> (0, 0, 0)>
#map1 = affine_map<(d0, d1) -> (0)>
module attributes {stable_mosaic.version = 14 : i64} {
  func.func @_hist_body(%arg0: i32, %arg1: i32, %arg2: memref<16x50x128xi32, #tpu.memory_space<hbm>>, %arg3: memref<12544xf32, #tpu.memory_space<hbm>>, %arg4: memref<128xf32, #tpu.memory_space<hbm>>, %arg5: memref<200704xf32, #tpu.memory_space<hbm>>, %arg6: memref<50x128xi32, #tpu.memory_space<vmem>>, %arg7: memref<128xf32, #tpu.memory_space<vmem>>, %arg8: memref<12544xf32, #tpu.memory_space<vmem>>, %arg9: memref<200704xf32, #tpu.memory_space<vmem_shared>>, %arg10: memref<!tpu.dma_semaphore, #tpu.memory_space<semaphore_mem>>) attributes {dimension_semantics = [#tpu.dimension_semantics<core_parallel>, #tpu.dimension_semantics<subcore_parallel>], iteration_bounds = array<i64: 1, 16>, scalar_prefetch = 0 : i64, scratch_operands = 5 : i64, tpu.core_type = #tpu.core_type<sc_vector_subcore>, window_params = [{transform_indices = #map}, {transform_indices = #map1}, {transform_indices = #map1}, {transform_indices = #map1}]} {
    %mul3A = arith.constant 16 : i32
    %mul3A_0 = arith.muli %arg0, %mul3A : i32
    %add3A = arith.addi %mul3A_0, %arg1 : i32
    tpu.enqueue_dma source(%arg4 : memref<128xf32, #tpu.memory_space<hbm>>) target(%arg7 : memref<128xf32, #tpu.memory_space<vmem>>) target_semaphore(%arg10 : memref<!tpu.dma_semaphore, #tpu.memory_space<semaphore_mem>>)
    tpu.enqueue_dma source(%arg3 : memref<12544xf32, #tpu.memory_space<hbm>>) target(%arg8 : memref<12544xf32, #tpu.memory_space<vmem>>) target_semaphore(%arg10 : memref<!tpu.dma_semaphore, #tpu.memory_space<semaphore_mem>>)
    %dma_start3A = arith.constant 0 : i32
    %dma_start3A_1 = arith.constant 0 : i32
    %dma_start3A_2 = tpu.memref_slice %arg2[%add3A, %dma_start3A, %dma_start3A_1] : memref<16x50x128xi32, #tpu.memory_space<hbm>> -> memref<1x50x128xi32, #tpu.memory_space<hbm>>
    %dma_start3A_3 = tpu.memref_squeeze %dma_start3A_2 : memref<1x50x128xi32, #tpu.memory_space<hbm>> -> memref<50x128xi32, #tpu.memory_space<hbm>>
    %dma_start3A_4 = arith.constant 0 : i32
    %dma_start3A_5 = arith.constant 0 : i32
    %dma_start3A_6 = tpu.memref_slice %arg2[%add3A, %dma_start3A_4, %dma_start3A_5] : memref<16x50x128xi32, #tpu.memory_space<hbm>> -> memref<1x50x128xi32, #tpu.memory_space<hbm>>
    %dma_start3A_7 = tpu.memref_squeeze %dma_start3A_6 : memref<1x50x128xi32, #tpu.memory_space<hbm>> -> memref<50x128xi32, #tpu.memory_space<hbm>>
    tpu.enqueue_dma source(%dma_start3A_7 : memref<50x128xi32, #tpu.memory_space<hbm>>) target(%arg6 : memref<50x128xi32, #tpu.memory_space<vmem>>) target_semaphore(%arg10 : memref<!tpu.dma_semaphore, #tpu.memory_space<semaphore_mem>>)
    tpu.wait_dma2 semaphore(%arg10 : memref<!tpu.dma_semaphore, #tpu.memory_space<semaphore_mem>>) src(%arg3 : memref<12544xf32, #tpu.memory_space<hbm>>) dst(%arg8 : memref<12544xf32, #tpu.memory_space<vmem>>)
    %mul3A_8 = arith.constant 12544 : i32
    %mul3A_9 = arith.muli %arg1, %mul3A_8 : i32
    %dma_start3A_10 = tpu.memref_slice %arg9[%mul3A_9] : memref<200704xf32, #tpu.memory_space<vmem_shared>> -> memref<12544xf32, #tpu.memory_space<vmem_shared>>
    %dma_start3A_11 = tpu.memref_slice %arg9[%mul3A_9] : memref<200704xf32, #tpu.memory_space<vmem_shared>> -> memref<12544xf32, #tpu.memory_space<vmem_shared>>
    tpu.enqueue_dma source(%arg8 : memref<12544xf32, #tpu.memory_space<vmem>>) target(%dma_start3A_11 : memref<12544xf32, #tpu.memory_space<vmem_shared>>) target_semaphore(%arg10 : memref<!tpu.dma_semaphore, #tpu.memory_space<semaphore_mem>>)
    tpu.wait_dma2 semaphore(%arg10 : memref<!tpu.dma_semaphore, #tpu.memory_space<semaphore_mem>>) src(%arg4 : memref<128xf32, #tpu.memory_space<hbm>>) dst(%arg7 : memref<128xf32, #tpu.memory_space<vmem>>)
    %dma_wait3A = arith.constant 0 : i32
    %dma_wait3A_12 = arith.constant 0 : i32
    %dma_wait3A_13 = tpu.memref_slice %arg2[%add3A, %dma_wait3A, %dma_wait3A_12] : memref<16x50x128xi32, #tpu.memory_space<hbm>> -> memref<1x50x128xi32, #tpu.memory_space<hbm>>
    %dma_wait3A_14 = tpu.memref_squeeze %dma_wait3A_13 : memref<1x50x128xi32, #tpu.memory_space<hbm>> -> memref<50x128xi32, #tpu.memory_space<hbm>>
    %dma_wait3A_15 = arith.constant 0 : i32
    %dma_wait3A_16 = arith.constant 0 : i32
    %dma_wait3A_17 = tpu.memref_slice %arg2[%add3A, %dma_wait3A_15, %dma_wait3A_16] : memref<16x50x128xi32, #tpu.memory_space<hbm>> -> memref<1x50x128xi32, #tpu.memory_space<hbm>>
    %dma_wait3A_18 = tpu.memref_squeeze %dma_wait3A_17 : memref<1x50x128xi32, #tpu.memory_space<hbm>> -> memref<50x128xi32, #tpu.memory_space<hbm>>
    tpu.wait_dma2 semaphore(%arg10 : memref<!tpu.dma_semaphore, #tpu.memory_space<semaphore_mem>>) src(%dma_wait3A_18 : memref<50x128xi32, #tpu.memory_space<hbm>>) dst(%arg6 : memref<50x128xi32, #tpu.memory_space<vmem>>)
    %dma_wait3A_19 = tpu.memref_slice %arg9[%mul3A_9] : memref<200704xf32, #tpu.memory_space<vmem_shared>> -> memref<12544xf32, #tpu.memory_space<vmem_shared>>
    %dma_wait3A_20 = tpu.memref_slice %arg9[%mul3A_9] : memref<200704xf32, #tpu.memory_space<vmem_shared>> -> memref<12544xf32, #tpu.memory_space<vmem_shared>>
    tpu.wait_dma2 semaphore(%arg10 : memref<!tpu.dma_semaphore, #tpu.memory_space<semaphore_mem>>) src(%arg8 : memref<12544xf32, #tpu.memory_space<vmem>>) dst(%dma_wait3A_20 : memref<12544xf32, #tpu.memory_space<vmem_shared>>)
    %barrier3A = arith.constant 0 : index
    tpu.barrier barrier_id(%barrier3A)
    %dma_start3A_21 = arith.constant 0 : i32
    %dma_start3A_22 = arith.constant 0 : i32
    %dma_start3A_23 = tpu.memref_slice %arg6[%dma_start3A_21, %dma_start3A_22] : memref<50x128xi32, #tpu.memory_space<vmem>> -> memref<1x128xi32, #tpu.memory_space<vmem>>
    %dma_start3A_24 = tpu.memref_squeeze %dma_start3A_23 : memref<1x128xi32, #tpu.memory_space<vmem>> -> memref<128xi32, #tpu.memory_space<vmem>>
    %dma_start3A_25 = arith.constant 0 : i32
    %dma_start3A_26 = tpu.memref_slice %arg9[%dma_start3A_25] : memref<200704xf32, #tpu.memory_space<vmem_shared>> -> memref<200704xf32, #tpu.memory_space<vmem_shared>>
    tpu.enqueue_indirect_dma source(%arg7 : memref<128xf32, #tpu.memory_space<vmem>>) target(%dma_start3A_26 : memref<200704xf32, #tpu.memory_space<vmem_shared>>) offsets(%dma_start3A_24 : memref<128xi32, #tpu.memory_space<vmem>>) semaphore(%arg10 : memref<!tpu.dma_semaphore, #tpu.memory_space<semaphore_mem>>) {add = true}
    %dma_start3A_27 = arith.constant 1 : i32
    %dma_start3A_28 = arith.constant 0 : i32
    %dma_start3A_29 = tpu.memref_slice %arg6[%dma_start3A_27, %dma_start3A_28] : memref<50x128xi32, #tpu.memory_space<vmem>> -> memref<1x128xi32, #tpu.memory_space<vmem>>
    %dma_start3A_30 = tpu.memref_squeeze %dma_start3A_29 : memref<1x128xi32, #tpu.memory_space<vmem>> -> memref<128xi32, #tpu.memory_space<vmem>>
    %dma_start3A_31 = arith.constant 0 : i32
    %dma_start3A_32 = tpu.memref_slice %arg9[%dma_start3A_31] : memref<200704xf32, #tpu.memory_space<vmem_shared>> -> memref<200704xf32, #tpu.memory_space<vmem_shared>>
    tpu.enqueue_indirect_dma source(%arg7 : memref<128xf32, #tpu.memory_space<vmem>>) target(%dma_start3A_32 : memref<200704xf32, #tpu.memory_space<vmem_shared>>) offsets(%dma_start3A_30 : memref<128xi32, #tpu.memory_space<vmem>>) semaphore(%arg10 : memref<!tpu.dma_semaphore, #tpu.memory_space<semaphore_mem>>) {add = true}
    %dma_start3A_33 = arith.constant 2 : i32
    %dma_start3A_34 = arith.constant 0 : i32
    %dma_start3A_35 = tpu.memref_slice %arg6[%dma_start3A_33, %dma_start3A_34] : memref<50x128xi32, #tpu.memory_space<vmem>> -> memref<1x128xi32, #tpu.memory_space<vmem>>
    %dma_start3A_36 = tpu.memref_squeeze %dma_start3A_35 : memref<1x128xi32, #tpu.memory_space<vmem>> -> memref<128xi32, #tpu.memory_space<vmem>>
    %dma_start3A_37 = arith.constant 0 : i32
    %dma_start3A_38 = tpu.memref_slice %arg9[%dma_start3A_37] : memref<200704xf32, #tpu.memory_space<vmem_shared>> -> memref<200704xf32, #tpu.memory_space<vmem_shared>>
    tpu.enqueue_indirect_dma source(%arg7 : memref<128xf32, #tpu.memory_space<vmem>>) target(%dma_start3A_38 : memref<200704xf32, #tpu.memory_space<vmem_shared>>) offsets(%dma_start3A_36 : memref<128xi32, #tpu.memory_space<vmem>>) semaphore(%arg10 : memref<!tpu.dma_semaphore, #tpu.memory_space<semaphore_mem>>) {add = true}
    %dma_start3A_39 = arith.constant 3 : i32
    %dma_start3A_40 = arith.constant 0 : i32
    %dma_start3A_41 = tpu.memref_slice %arg6[%dma_start3A_39, %dma_start3A_40] : memref<50x128xi32, #tpu.memory_space<vmem>> -> memref<1x128xi32, #tpu.memory_space<vmem>>
    %dma_start3A_42 = tpu.memref_squeeze %dma_start3A_41 : memref<1x128xi32, #tpu.memory_space<vmem>> -> memref<128xi32, #tpu.memory_space<vmem>>
    %dma_start3A_43 = arith.constant 0 : i32
    %dma_start3A_44 = tpu.memref_slice %arg9[%dma_start3A_43] : memref<200704xf32, #tpu.memory_space<vmem_shared>> -> memref<200704xf32, #tpu.memory_space<vmem_shared>>
    tpu.enqueue_indirect_dma source(%arg7 : memref<128xf32, #tpu.memory_space<vmem>>) target(%dma_start3A_44 : memref<200704xf32, #tpu.memory_space<vmem_shared>>) offsets(%dma_start3A_42 : memref<128xi32, #tpu.memory_space<vmem>>) semaphore(%arg10 : memref<!tpu.dma_semaphore, #tpu.memory_space<semaphore_mem>>) {add = true}
    %dma_start3A_45 = arith.constant 4 : i32
    %dma_start3A_46 = arith.constant 0 : i32
    %dma_start3A_47 = tpu.memref_slice %arg6[%dma_start3A_45, %dma_start3A_46] : memref<50x128xi32, #tpu.memory_space<vmem>> -> memref<1x128xi32, #tpu.memory_space<vmem>>
    %dma_start3A_48 = tpu.memref_squeeze %dma_start3A_47 : memref<1x128xi32, #tpu.memory_space<vmem>> -> memref<128xi32, #tpu.memory_space<vmem>>
    %dma_start3A_49 = arith.constant 0 : i32
    %dma_start3A_50 = tpu.memref_slice %arg9[%dma_start3A_49] : memref<200704xf32, #tpu.memory_space<vmem_shared>> -> memref<200704xf32, #tpu.memory_space<vmem_shared>>
    tpu.enqueue_indirect_dma source(%arg7 : memref<128xf32, #tpu.memory_space<vmem>>) target(%dma_start3A_50 : memref<200704xf32, #tpu.memory_space<vmem_shared>>) offsets(%dma_start3A_48 : memref<128xi32, #tpu.memory_space<vmem>>) semaphore(%arg10 : memref<!tpu.dma_semaphore, #tpu.memory_space<semaphore_mem>>) {add = true}
    %dma_start3A_51 = arith.constant 5 : i32
    %dma_start3A_52 = arith.constant 0 : i32
    %dma_start3A_53 = tpu.memref_slice %arg6[%dma_start3A_51, %dma_start3A_52] : memref<50x128xi32, #tpu.memory_space<vmem>> -> memref<1x128xi32, #tpu.memory_space<vmem>>
    %dma_start3A_54 = tpu.memref_squeeze %dma_start3A_53 : memref<1x128xi32, #tpu.memory_space<vmem>> -> memref<128xi32, #tpu.memory_space<vmem>>
    %dma_start3A_55 = arith.constant 0 : i32
    %dma_start3A_56 = tpu.memref_slice %arg9[%dma_start3A_55] : memref<200704xf32, #tpu.memory_space<vmem_shared>> -> memref<200704xf32, #tpu.memory_space<vmem_shared>>
    tpu.enqueue_indirect_dma source(%arg7 : memref<128xf32, #tpu.memory_space<vmem>>) target(%dma_start3A_56 : memref<200704xf32, #tpu.memory_space<vmem_shared>>) offsets(%dma_start3A_54 : memref<128xi32, #tpu.memory_space<vmem>>) semaphore(%arg10 : memref<!tpu.dma_semaphore, #tpu.memory_space<semaphore_mem>>) {add = true}
    %dma_start3A_57 = arith.constant 6 : i32
    %dma_start3A_58 = arith.constant 0 : i32
    %dma_start3A_59 = tpu.memref_slice %arg6[%dma_start3A_57, %dma_start3A_58] : memref<50x128xi32, #tpu.memory_space<vmem>> -> memref<1x128xi32, #tpu.memory_space<vmem>>
    %dma_start3A_60 = tpu.memref_squeeze %dma_start3A_59 : memref<1x128xi32, #tpu.memory_space<vmem>> -> memref<128xi32, #tpu.memory_space<vmem>>
    %dma_start3A_61 = arith.constant 0 : i32
    %dma_start3A_62 = tpu.memref_slice %arg9[%dma_start3A_61] : memref<200704xf32, #tpu.memory_space<vmem_shared>> -> memref<200704xf32, #tpu.memory_space<vmem_shared>>
    tpu.enqueue_indirect_dma source(%arg7 : memref<128xf32, #tpu.memory_space<vmem>>) target(%dma_start3A_62 : memref<200704xf32, #tpu.memory_space<vmem_shared>>) offsets(%dma_start3A_60 : memref<128xi32, #tpu.memory_space<vmem>>) semaphore(%arg10 : memref<!tpu.dma_semaphore, #tpu.memory_space<semaphore_mem>>) {add = true}
    %dma_start3A_63 = arith.constant 7 : i32
    %dma_start3A_64 = arith.constant 0 : i32
    %dma_start3A_65 = tpu.memref_slice %arg6[%dma_start3A_63, %dma_start3A_64] : memref<50x128xi32, #tpu.memory_space<vmem>> -> memref<1x128xi32, #tpu.memory_space<vmem>>
    %dma_start3A_66 = tpu.memref_squeeze %dma_start3A_65 : memref<1x128xi32, #tpu.memory_space<vmem>> -> memref<128xi32, #tpu.memory_space<vmem>>
    %dma_start3A_67 = arith.constant 0 : i32
    %dma_start3A_68 = tpu.memref_slice %arg9[%dma_start3A_67] : memref<200704xf32, #tpu.memory_space<vmem_shared>> -> memref<200704xf32, #tpu.memory_space<vmem_shared>>
    tpu.enqueue_indirect_dma source(%arg7 : memref<128xf32, #tpu.memory_space<vmem>>) target(%dma_start3A_68 : memref<200704xf32, #tpu.memory_space<vmem_shared>>) offsets(%dma_start3A_66 : memref<128xi32, #tpu.memory_space<vmem>>) semaphore(%arg10 : memref<!tpu.dma_semaphore, #tpu.memory_space<semaphore_mem>>) {add = true}
    %dma_start3A_69 = arith.constant 8 : i32
    %dma_start3A_70 = arith.constant 0 : i32
    %dma_start3A_71 = tpu.memref_slice %arg6[%dma_start3A_69, %dma_start3A_70] : memref<50x128xi32, #tpu.memory_space<vmem>> -> memref<1x128xi32, #tpu.memory_space<vmem>>
    %dma_start3A_72 = tpu.memref_squeeze %dma_start3A_71 : memref<1x128xi32, #tpu.memory_space<vmem>> -> memref<128xi32, #tpu.memory_space<vmem>>
    %dma_start3A_73 = arith.constant 0 : i32
    %dma_start3A_74 = tpu.memref_slice %arg9[%dma_start3A_73] : memref<200704xf32, #tpu.memory_space<vmem_shared>> -> memref<200704xf32, #tpu.memory_space<vmem_shared>>
    tpu.enqueue_indirect_dma source(%arg7 : memref<128xf32, #tpu.memory_space<vmem>>) target(%dma_start3A_74 : memref<200704xf32, #tpu.memory_space<vmem_shared>>) offsets(%dma_start3A_72 : memref<128xi32, #tpu.memory_space<vmem>>) semaphore(%arg10 : memref<!tpu.dma_semaphore, #tpu.memory_space<semaphore_mem>>) {add = true}
    %dma_start3A_75 = arith.constant 9 : i32
    %dma_start3A_76 = arith.constant 0 : i32
    %dma_start3A_77 = tpu.memref_slice %arg6[%dma_start3A_75, %dma_start3A_76] : memref<50x128xi32, #tpu.memory_space<vmem>> -> memref<1x128xi32, #tpu.memory_space<vmem>>
    %dma_start3A_78 = tpu.memref_squeeze %dma_start3A_77 : memref<1x128xi32, #tpu.memory_space<vmem>> -> memref<128xi32, #tpu.memory_space<vmem>>
    %dma_start3A_79 = arith.constant 0 : i32
    %dma_start3A_80 = tpu.memref_slice %arg9[%dma_start3A_79] : memref<200704xf32, #tpu.memory_space<vmem_shared>> -> memref<200704xf32, #tpu.memory_space<vmem_shared>>
    tpu.enqueue_indirect_dma source(%arg7 : memref<128xf32, #tpu.memory_space<vmem>>) target(%dma_start3A_80 : memref<200704xf32, #tpu.memory_space<vmem_shared>>) offsets(%dma_start3A_78 : memref<128xi32, #tpu.memory_space<vmem>>) semaphore(%arg10 : memref<!tpu.dma_semaphore, #tpu.memory_space<semaphore_mem>>) {add = true}
    %dma_start3A_81 = arith.constant 10 : i32
    %dma_start3A_82 = arith.constant 0 : i32
    %dma_start3A_83 = tpu.memref_slice %arg6[%dma_start3A_81, %dma_start3A_82] : memref<50x128xi32, #tpu.memory_space<vmem>> -> memref<1x128xi32, #tpu.memory_space<vmem>>
    %dma_start3A_84 = tpu.memref_squeeze %dma_start3A_83 : memref<1x128xi32, #tpu.memory_space<vmem>> -> memref<128xi32, #tpu.memory_space<vmem>>
    %dma_start3A_85 = arith.constant 0 : i32
    %dma_start3A_86 = tpu.memref_slice %arg9[%dma_start3A_85] : memref<200704xf32, #tpu.memory_space<vmem_shared>> -> memref<200704xf32, #tpu.memory_space<vmem_shared>>
    tpu.enqueue_indirect_dma source(%arg7 : memref<128xf32, #tpu.memory_space<vmem>>) target(%dma_start3A_86 : memref<200704xf32, #tpu.memory_space<vmem_shared>>) offsets(%dma_start3A_84 : memref<128xi32, #tpu.memory_space<vmem>>) semaphore(%arg10 : memref<!tpu.dma_semaphore, #tpu.memory_space<semaphore_mem>>) {add = true}
    %dma_start3A_87 = arith.constant 11 : i32
    %dma_start3A_88 = arith.constant 0 : i32
    %dma_start3A_89 = tpu.memref_slice %arg6[%dma_start3A_87, %dma_start3A_88] : memref<50x128xi32, #tpu.memory_space<vmem>> -> memref<1x128xi32, #tpu.memory_space<vmem>>
    %dma_start3A_90 = tpu.memref_squeeze %dma_start3A_89 : memref<1x128xi32, #tpu.memory_space<vmem>> -> memref<128xi32, #tpu.memory_space<vmem>>
    %dma_start3A_91 = arith.constant 0 : i32
    %dma_start3A_92 = tpu.memref_slice %arg9[%dma_start3A_91] : memref<200704xf32, #tpu.memory_space<vmem_shared>> -> memref<200704xf32, #tpu.memory_space<vmem_shared>>
    tpu.enqueue_indirect_dma source(%arg7 : memref<128xf32, #tpu.memory_space<vmem>>) target(%dma_start3A_92 : memref<200704xf32, #tpu.memory_space<vmem_shared>>) offsets(%dma_start3A_90 : memref<128xi32, #tpu.memory_space<vmem>>) semaphore(%arg10 : memref<!tpu.dma_semaphore, #tpu.memory_space<semaphore_mem>>) {add = true}
    %dma_start3A_93 = arith.constant 12 : i32
    %dma_start3A_94 = arith.constant 0 : i32
    %dma_start3A_95 = tpu.memref_slice %arg6[%dma_start3A_93, %dma_start3A_94] : memref<50x128xi32, #tpu.memory_space<vmem>> -> memref<1x128xi32, #tpu.memory_space<vmem>>
    %dma_start3A_96 = tpu.memref_squeeze %dma_start3A_95 : memref<1x128xi32, #tpu.memory_space<vmem>> -> memref<128xi32, #tpu.memory_space<vmem>>
    %dma_start3A_97 = arith.constant 0 : i32
    %dma_start3A_98 = tpu.memref_slice %arg9[%dma_start3A_97] : memref<200704xf32, #tpu.memory_space<vmem_shared>> -> memref<200704xf32, #tpu.memory_space<vmem_shared>>
    tpu.enqueue_indirect_dma source(%arg7 : memref<128xf32, #tpu.memory_space<vmem>>) target(%dma_start3A_98 : memref<200704xf32, #tpu.memory_space<vmem_shared>>) offsets(%dma_start3A_96 : memref<128xi32, #tpu.memory_space<vmem>>) semaphore(%arg10 : memref<!tpu.dma_semaphore, #tpu.memory_space<semaphore_mem>>) {add = true}
    %dma_start3A_99 = arith.constant 13 : i32
    %dma_start3A_100 = arith.constant 0 : i32
    %dma_start3A_101 = tpu.memref_slice %arg6[%dma_start3A_99, %dma_start3A_100] : memref<50x128xi32, #tpu.memory_space<vmem>> -> memref<1x128xi32, #tpu.memory_space<vmem>>
    %dma_start3A_102 = tpu.memref_squeeze %dma_start3A_101 : memref<1x128xi32, #tpu.memory_space<vmem>> -> memref<128xi32, #tpu.memory_space<vmem>>
    %dma_start3A_103 = arith.constant 0 : i32
    %dma_start3A_104 = tpu.memref_slice %arg9[%dma_start3A_103] : memref<200704xf32, #tpu.memory_space<vmem_shared>> -> memref<200704xf32, #tpu.memory_space<vmem_shared>>
    tpu.enqueue_indirect_dma source(%arg7 : memref<128xf32, #tpu.memory_space<vmem>>) target(%dma_start3A_104 : memref<200704xf32, #tpu.memory_space<vmem_shared>>) offsets(%dma_start3A_102 : memref<128xi32, #tpu.memory_space<vmem>>) semaphore(%arg10 : memref<!tpu.dma_semaphore, #tpu.memory_space<semaphore_mem>>) {add = true}
    %dma_start3A_105 = arith.constant 14 : i32
    %dma_start3A_106 = arith.constant 0 : i32
    %dma_start3A_107 = tpu.memref_slice %arg6[%dma_start3A_105, %dma_start3A_106] : memref<50x128xi32, #tpu.memory_space<vmem>> -> memref<1x128xi32, #tpu.memory_space<vmem>>
    %dma_start3A_108 = tpu.memref_squeeze %dma_start3A_107 : memref<1x128xi32, #tpu.memory_space<vmem>> -> memref<128xi32, #tpu.memory_space<vmem>>
    %dma_start3A_109 = arith.constant 0 : i32
    %dma_start3A_110 = tpu.memref_slice %arg9[%dma_start3A_109] : memref<200704xf32, #tpu.memory_space<vmem_shared>> -> memref<200704xf32, #tpu.memory_space<vmem_shared>>
    tpu.enqueue_indirect_dma source(%arg7 : memref<128xf32, #tpu.memory_space<vmem>>) target(%dma_start3A_110 : memref<200704xf32, #tpu.memory_space<vmem_shared>>) offsets(%dma_start3A_108 : memref<128xi32, #tpu.memory_space<vmem>>) semaphore(%arg10 : memref<!tpu.dma_semaphore, #tpu.memory_space<semaphore_mem>>) {add = true}
    %dma_start3A_111 = arith.constant 15 : i32
    %dma_start3A_112 = arith.constant 0 : i32
    %dma_start3A_113 = tpu.memref_slice %arg6[%dma_start3A_111, %dma_start3A_112] : memref<50x128xi32, #tpu.memory_space<vmem>> -> memref<1x128xi32, #tpu.memory_space<vmem>>
    %dma_start3A_114 = tpu.memref_squeeze %dma_start3A_113 : memref<1x128xi32, #tpu.memory_space<vmem>> -> memref<128xi32, #tpu.memory_space<vmem>>
    %dma_start3A_115 = arith.constant 0 : i32
    %dma_start3A_116 = tpu.memref_slice %arg9[%dma_start3A_115] : memref<200704xf32, #tpu.memory_space<vmem_shared>> -> memref<200704xf32, #tpu.memory_space<vmem_shared>>
    tpu.enqueue_indirect_dma source(%arg7 : memref<128xf32, #tpu.memory_space<vmem>>) target(%dma_start3A_116 : memref<200704xf32, #tpu.memory_space<vmem_shared>>) offsets(%dma_start3A_114 : memref<128xi32, #tpu.memory_space<vmem>>) semaphore(%arg10 : memref<!tpu.dma_semaphore, #tpu.memory_space<semaphore_mem>>) {add = true}
    %dma_start3A_117 = arith.constant 16 : i32
    %dma_start3A_118 = arith.constant 0 : i32
    %dma_start3A_119 = tpu.memref_slice %arg6[%dma_start3A_117, %dma_start3A_118] : memref<50x128xi32, #tpu.memory_space<vmem>> -> memref<1x128xi32, #tpu.memory_space<vmem>>
    %dma_start3A_120 = tpu.memref_squeeze %dma_start3A_119 : memref<1x128xi32, #tpu.memory_space<vmem>> -> memref<128xi32, #tpu.memory_space<vmem>>
    %dma_start3A_121 = arith.constant 0 : i32
    %dma_start3A_122 = tpu.memref_slice %arg9[%dma_start3A_121] : memref<200704xf32, #tpu.memory_space<vmem_shared>> -> memref<200704xf32, #tpu.memory_space<vmem_shared>>
    tpu.enqueue_indirect_dma source(%arg7 : memref<128xf32, #tpu.memory_space<vmem>>) target(%dma_start3A_122 : memref<200704xf32, #tpu.memory_space<vmem_shared>>) offsets(%dma_start3A_120 : memref<128xi32, #tpu.memory_space<vmem>>) semaphore(%arg10 : memref<!tpu.dma_semaphore, #tpu.memory_space<semaphore_mem>>) {add = true}
    %dma_start3A_123 = arith.constant 17 : i32
    %dma_start3A_124 = arith.constant 0 : i32
    %dma_start3A_125 = tpu.memref_slice %arg6[%dma_start3A_123, %dma_start3A_124] : memref<50x128xi32, #tpu.memory_space<vmem>> -> memref<1x128xi32, #tpu.memory_space<vmem>>
    %dma_start3A_126 = tpu.memref_squeeze %dma_start3A_125 : memref<1x128xi32, #tpu.memory_space<vmem>> -> memref<128xi32, #tpu.memory_space<vmem>>
    %dma_start3A_127 = arith.constant 0 : i32
    %dma_start3A_128 = tpu.memref_slice %arg9[%dma_start3A_127] : memref<200704xf32, #tpu.memory_space<vmem_shared>> -> memref<200704xf32, #tpu.memory_space<vmem_shared>>
    tpu.enqueue_indirect_dma source(%arg7 : memref<128xf32, #tpu.memory_space<vmem>>) target(%dma_start3A_128 : memref<200704xf32, #tpu.memory_space<vmem_shared>>) offsets(%dma_start3A_126 : memref<128xi32, #tpu.memory_space<vmem>>) semaphore(%arg10 : memref<!tpu.dma_semaphore, #tpu.memory_space<semaphore_mem>>) {add = true}
    %dma_start3A_129 = arith.constant 18 : i32
    %dma_start3A_130 = arith.constant 0 : i32
    %dma_start3A_131 = tpu.memref_slice %arg6[%dma_start3A_129, %dma_start3A_130] : memref<50x128xi32, #tpu.memory_space<vmem>> -> memref<1x128xi32, #tpu.memory_space<vmem>>
    %dma_start3A_132 = tpu.memref_squeeze %dma_start3A_131 : memref<1x128xi32, #tpu.memory_space<vmem>> -> memref<128xi32, #tpu.memory_space<vmem>>
    %dma_start3A_133 = arith.constant 0 : i32
    %dma_start3A_134 = tpu.memref_slice %arg9[%dma_start3A_133] : memref<200704xf32, #tpu.memory_space<vmem_shared>> -> memref<200704xf32, #tpu.memory_space<vmem_shared>>
    tpu.enqueue_indirect_dma source(%arg7 : memref<128xf32, #tpu.memory_space<vmem>>) target(%dma_start3A_134 : memref<200704xf32, #tpu.memory_space<vmem_shared>>) offsets(%dma_start3A_132 : memref<128xi32, #tpu.memory_space<vmem>>) semaphore(%arg10 : memref<!tpu.dma_semaphore, #tpu.memory_space<semaphore_mem>>) {add = true}
    %dma_start3A_135 = arith.constant 19 : i32
    %dma_start3A_136 = arith.constant 0 : i32
    %dma_start3A_137 = tpu.memref_slice %arg6[%dma_start3A_135, %dma_start3A_136] : memref<50x128xi32, #tpu.memory_space<vmem>> -> memref<1x128xi32, #tpu.memory_space<vmem>>
    %dma_start3A_138 = tpu.memref_squeeze %dma_start3A_137 : memref<1x128xi32, #tpu.memory_space<vmem>> -> memref<128xi32, #tpu.memory_space<vmem>>
    %dma_start3A_139 = arith.constant 0 : i32
    %dma_start3A_140 = tpu.memref_slice %arg9[%dma_start3A_139] : memref<200704xf32, #tpu.memory_space<vmem_shared>> -> memref<200704xf32, #tpu.memory_space<vmem_shared>>
    tpu.enqueue_indirect_dma source(%arg7 : memref<128xf32, #tpu.memory_space<vmem>>) target(%dma_start3A_140 : memref<200704xf32, #tpu.memory_space<vmem_shared>>) offsets(%dma_start3A_138 : memref<128xi32, #tpu.memory_space<vmem>>) semaphore(%arg10 : memref<!tpu.dma_semaphore, #tpu.memory_space<semaphore_mem>>) {add = true}
    %dma_start3A_141 = arith.constant 20 : i32
    %dma_start3A_142 = arith.constant 0 : i32
    %dma_start3A_143 = tpu.memref_slice %arg6[%dma_start3A_141, %dma_start3A_142] : memref<50x128xi32, #tpu.memory_space<vmem>> -> memref<1x128xi32, #tpu.memory_space<vmem>>
    %dma_start3A_144 = tpu.memref_squeeze %dma_start3A_143 : memref<1x128xi32, #tpu.memory_space<vmem>> -> memref<128xi32, #tpu.memory_space<vmem>>
    %dma_start3A_145 = arith.constant 0 : i32
    %dma_start3A_146 = tpu.memref_slice %arg9[%dma_start3A_145] : memref<200704xf32, #tpu.memory_space<vmem_shared>> -> memref<200704xf32, #tpu.memory_space<vmem_shared>>
    tpu.enqueue_indirect_dma source(%arg7 : memref<128xf32, #tpu.memory_space<vmem>>) target(%dma_start3A_146 : memref<200704xf32, #tpu.memory_space<vmem_shared>>) offsets(%dma_start3A_144 : memref<128xi32, #tpu.memory_space<vmem>>) semaphore(%arg10 : memref<!tpu.dma_semaphore, #tpu.memory_space<semaphore_mem>>) {add = true}
    %dma_start3A_147 = arith.constant 21 : i32
    %dma_start3A_148 = arith.constant 0 : i32
    %dma_start3A_149 = tpu.memref_slice %arg6[%dma_start3A_147, %dma_start3A_148] : memref<50x128xi32, #tpu.memory_space<vmem>> -> memref<1x128xi32, #tpu.memory_space<vmem>>
    %dma_start3A_150 = tpu.memref_squeeze %dma_start3A_149 : memref<1x128xi32, #tpu.memory_space<vmem>> -> memref<128xi32, #tpu.memory_space<vmem>>
    %dma_start3A_151 = arith.constant 0 : i32
    %dma_start3A_152 = tpu.memref_slice %arg9[%dma_start3A_151] : memref<200704xf32, #tpu.memory_space<vmem_shared>> -> memref<200704xf32, #tpu.memory_space<vmem_shared>>
    tpu.enqueue_indirect_dma source(%arg7 : memref<128xf32, #tpu.memory_space<vmem>>) target(%dma_start3A_152 : memref<200704xf32, #tpu.memory_space<vmem_shared>>) offsets(%dma_start3A_150 : memref<128xi32, #tpu.memory_space<vmem>>) semaphore(%arg10 : memref<!tpu.dma_semaphore, #tpu.memory_space<semaphore_mem>>) {add = true}
    %dma_start3A_153 = arith.constant 22 : i32
    %dma_start3A_154 = arith.constant 0 : i32
    %dma_start3A_155 = tpu.memref_slice %arg6[%dma_start3A_153, %dma_start3A_154] : memref<50x128xi32, #tpu.memory_space<vmem>> -> memref<1x128xi32, #tpu.memory_space<vmem>>
    %dma_start3A_156 = tpu.memref_squeeze %dma_start3A_155 : memref<1x128xi32, #tpu.memory_space<vmem>> -> memref<128xi32, #tpu.memory_space<vmem>>
    %dma_start3A_157 = arith.constant 0 : i32
    %dma_start3A_158 = tpu.memref_slice %arg9[%dma_start3A_157] : memref<200704xf32, #tpu.memory_space<vmem_shared>> -> memref<200704xf32, #tpu.memory_space<vmem_shared>>
    tpu.enqueue_indirect_dma source(%arg7 : memref<128xf32, #tpu.memory_space<vmem>>) target(%dma_start3A_158 : memref<200704xf32, #tpu.memory_space<vmem_shared>>) offsets(%dma_start3A_156 : memref<128xi32, #tpu.memory_space<vmem>>) semaphore(%arg10 : memref<!tpu.dma_semaphore, #tpu.memory_space<semaphore_mem>>) {add = true}
    %dma_start3A_159 = arith.constant 23 : i32
    %dma_start3A_160 = arith.constant 0 : i32
    %dma_start3A_161 = tpu.memref_slice %arg6[%dma_start3A_159, %dma_start3A_160] : memref<50x128xi32, #tpu.memory_space<vmem>> -> memref<1x128xi32, #tpu.memory_space<vmem>>
    %dma_start3A_162 = tpu.memref_squeeze %dma_start3A_161 : memref<1x128xi32, #tpu.memory_space<vmem>> -> memref<128xi32, #tpu.memory_space<vmem>>
    %dma_start3A_163 = arith.constant 0 : i32
    %dma_start3A_164 = tpu.memref_slice %arg9[%dma_start3A_163] : memref<200704xf32, #tpu.memory_space<vmem_shared>> -> memref<200704xf32, #tpu.memory_space<vmem_shared>>
    tpu.enqueue_indirect_dma source(%arg7 : memref<128xf32, #tpu.memory_space<vmem>>) target(%dma_start3A_164 : memref<200704xf32, #tpu.memory_space<vmem_shared>>) offsets(%dma_start3A_162 : memref<128xi32, #tpu.memory_space<vmem>>) semaphore(%arg10 : memref<!tpu.dma_semaphore, #tpu.memory_space<semaphore_mem>>) {add = true}
    %dma_start3A_165 = arith.constant 24 : i32
    %dma_start3A_166 = arith.constant 0 : i32
    %dma_start3A_167 = tpu.memref_slice %arg6[%dma_start3A_165, %dma_start3A_166] : memref<50x128xi32, #tpu.memory_space<vmem>> -> memref<1x128xi32, #tpu.memory_space<vmem>>
    %dma_start3A_168 = tpu.memref_squeeze %dma_start3A_167 : memref<1x128xi32, #tpu.memory_space<vmem>> -> memref<128xi32, #tpu.memory_space<vmem>>
    %dma_start3A_169 = arith.constant 0 : i32
    %dma_start3A_170 = tpu.memref_slice %arg9[%dma_start3A_169] : memref<200704xf32, #tpu.memory_space<vmem_shared>> -> memref<200704xf32, #tpu.memory_space<vmem_shared>>
    tpu.enqueue_indirect_dma source(%arg7 : memref<128xf32, #tpu.memory_space<vmem>>) target(%dma_start3A_170 : memref<200704xf32, #tpu.memory_space<vmem_shared>>) offsets(%dma_start3A_168 : memref<128xi32, #tpu.memory_space<vmem>>) semaphore(%arg10 : memref<!tpu.dma_semaphore, #tpu.memory_space<semaphore_mem>>) {add = true}
    %dma_start3A_171 = arith.constant 25 : i32
    %dma_start3A_172 = arith.constant 0 : i32
    %dma_start3A_173 = tpu.memref_slice %arg6[%dma_start3A_171, %dma_start3A_172] : memref<50x128xi32, #tpu.memory_space<vmem>> -> memref<1x128xi32, #tpu.memory_space<vmem>>
    %dma_start3A_174 = tpu.memref_squeeze %dma_start3A_173 : memref<1x128xi32, #tpu.memory_space<vmem>> -> memref<128xi32, #tpu.memory_space<vmem>>
    %dma_start3A_175 = arith.constant 0 : i32
    %dma_start3A_176 = tpu.memref_slice %arg9[%dma_start3A_175] : memref<200704xf32, #tpu.memory_space<vmem_shared>> -> memref<200704xf32, #tpu.memory_space<vmem_shared>>
    tpu.enqueue_indirect_dma source(%arg7 : memref<128xf32, #tpu.memory_space<vmem>>) target(%dma_start3A_176 : memref<200704xf32, #tpu.memory_space<vmem_shared>>) offsets(%dma_start3A_174 : memref<128xi32, #tpu.memory_space<vmem>>) semaphore(%arg10 : memref<!tpu.dma_semaphore, #tpu.memory_space<semaphore_mem>>) {add = true}
    %dma_start3A_177 = arith.constant 26 : i32
    %dma_start3A_178 = arith.constant 0 : i32
    %dma_start3A_179 = tpu.memref_slice %arg6[%dma_start3A_177, %dma_start3A_178] : memref<50x128xi32, #tpu.memory_space<vmem>> -> memref<1x128xi32, #tpu.memory_space<vmem>>
    %dma_start3A_180 = tpu.memref_squeeze %dma_start3A_179 : memref<1x128xi32, #tpu.memory_space<vmem>> -> memref<128xi32, #tpu.memory_space<vmem>>
    %dma_start3A_181 = arith.constant 0 : i32
    %dma_start3A_182 = tpu.memref_slice %arg9[%dma_start3A_181] : memref<200704xf32, #tpu.memory_space<vmem_shared>> -> memref<200704xf32, #tpu.memory_space<vmem_shared>>
    tpu.enqueue_indirect_dma source(%arg7 : memref<128xf32, #tpu.memory_space<vmem>>) target(%dma_start3A_182 : memref<200704xf32, #tpu.memory_space<vmem_shared>>) offsets(%dma_start3A_180 : memref<128xi32, #tpu.memory_space<vmem>>) semaphore(%arg10 : memref<!tpu.dma_semaphore, #tpu.memory_space<semaphore_mem>>) {add = true}
    %dma_start3A_183 = arith.constant 27 : i32
    %dma_start3A_184 = arith.constant 0 : i32
    %dma_start3A_185 = tpu.memref_slice %arg6[%dma_start3A_183, %dma_start3A_184] : memref<50x128xi32, #tpu.memory_space<vmem>> -> memref<1x128xi32, #tpu.memory_space<vmem>>
    %dma_start3A_186 = tpu.memref_squeeze %dma_start3A_185 : memref<1x128xi32, #tpu.memory_space<vmem>> -> memref<128xi32, #tpu.memory_space<vmem>>
    %dma_start3A_187 = arith.constant 0 : i32
    %dma_start3A_188 = tpu.memref_slice %arg9[%dma_start3A_187] : memref<200704xf32, #tpu.memory_space<vmem_shared>> -> memref<200704xf32, #tpu.memory_space<vmem_shared>>
    tpu.enqueue_indirect_dma source(%arg7 : memref<128xf32, #tpu.memory_space<vmem>>) target(%dma_start3A_188 : memref<200704xf32, #tpu.memory_space<vmem_shared>>) offsets(%dma_start3A_186 : memref<128xi32, #tpu.memory_space<vmem>>) semaphore(%arg10 : memref<!tpu.dma_semaphore, #tpu.memory_space<semaphore_mem>>) {add = true}
    %dma_start3A_189 = arith.constant 28 : i32
    %dma_start3A_190 = arith.constant 0 : i32
    %dma_start3A_191 = tpu.memref_slice %arg6[%dma_start3A_189, %dma_start3A_190] : memref<50x128xi32, #tpu.memory_space<vmem>> -> memref<1x128xi32, #tpu.memory_space<vmem>>
    %dma_start3A_192 = tpu.memref_squeeze %dma_start3A_191 : memref<1x128xi32, #tpu.memory_space<vmem>> -> memref<128xi32, #tpu.memory_space<vmem>>
    %dma_start3A_193 = arith.constant 0 : i32
    %dma_start3A_194 = tpu.memref_slice %arg9[%dma_start3A_193] : memref<200704xf32, #tpu.memory_space<vmem_shared>> -> memref<200704xf32, #tpu.memory_space<vmem_shared>>
    tpu.enqueue_indirect_dma source(%arg7 : memref<128xf32, #tpu.memory_space<vmem>>) target(%dma_start3A_194 : memref<200704xf32, #tpu.memory_space<vmem_shared>>) offsets(%dma_start3A_192 : memref<128xi32, #tpu.memory_space<vmem>>) semaphore(%arg10 : memref<!tpu.dma_semaphore, #tpu.memory_space<semaphore_mem>>) {add = true}
    %dma_start3A_195 = arith.constant 29 : i32
    %dma_start3A_196 = arith.constant 0 : i32
    %dma_start3A_197 = tpu.memref_slice %arg6[%dma_start3A_195, %dma_start3A_196] : memref<50x128xi32, #tpu.memory_space<vmem>> -> memref<1x128xi32, #tpu.memory_space<vmem>>
    %dma_start3A_198 = tpu.memref_squeeze %dma_start3A_197 : memref<1x128xi32, #tpu.memory_space<vmem>> -> memref<128xi32, #tpu.memory_space<vmem>>
    %dma_start3A_199 = arith.constant 0 : i32
    %dma_start3A_200 = tpu.memref_slice %arg9[%dma_start3A_199] : memref<200704xf32, #tpu.memory_space<vmem_shared>> -> memref<200704xf32, #tpu.memory_space<vmem_shared>>
    tpu.enqueue_indirect_dma source(%arg7 : memref<128xf32, #tpu.memory_space<vmem>>) target(%dma_start3A_200 : memref<200704xf32, #tpu.memory_space<vmem_shared>>) offsets(%dma_start3A_198 : memref<128xi32, #tpu.memory_space<vmem>>) semaphore(%arg10 : memref<!tpu.dma_semaphore, #tpu.memory_space<semaphore_mem>>) {add = true}
    %dma_start3A_201 = arith.constant 30 : i32
    %dma_start3A_202 = arith.constant 0 : i32
    %dma_start3A_203 = tpu.memref_slice %arg6[%dma_start3A_201, %dma_start3A_202] : memref<50x128xi32, #tpu.memory_space<vmem>> -> memref<1x128xi32, #tpu.memory_space<vmem>>
    %dma_start3A_204 = tpu.memref_squeeze %dma_start3A_203 : memref<1x128xi32, #tpu.memory_space<vmem>> -> memref<128xi32, #tpu.memory_space<vmem>>
    %dma_start3A_205 = arith.constant 0 : i32
    %dma_start3A_206 = tpu.memref_slice %arg9[%dma_start3A_205] : memref<200704xf32, #tpu.memory_space<vmem_shared>> -> memref<200704xf32, #tpu.memory_space<vmem_shared>>
    tpu.enqueue_indirect_dma source(%arg7 : memref<128xf32, #tpu.memory_space<vmem>>) target(%dma_start3A_206 : memref<200704xf32, #tpu.memory_space<vmem_shared>>) offsets(%dma_start3A_204 : memref<128xi32, #tpu.memory_space<vmem>>) semaphore(%arg10 : memref<!tpu.dma_semaphore, #tpu.memory_space<semaphore_mem>>) {add = true}
    %dma_start3A_207 = arith.constant 31 : i32
    %dma_start3A_208 = arith.constant 0 : i32
    %dma_start3A_209 = tpu.memref_slice %arg6[%dma_start3A_207, %dma_start3A_208] : memref<50x128xi32, #tpu.memory_space<vmem>> -> memref<1x128xi32, #tpu.memory_space<vmem>>
    %dma_start3A_210 = tpu.memref_squeeze %dma_start3A_209 : memref<1x128xi32, #tpu.memory_space<vmem>> -> memref<128xi32, #tpu.memory_space<vmem>>
    %dma_start3A_211 = arith.constant 0 : i32
    %dma_start3A_212 = tpu.memref_slice %arg9[%dma_start3A_211] : memref<200704xf32, #tpu.memory_space<vmem_shared>> -> memref<200704xf32, #tpu.memory_space<vmem_shared>>
    tpu.enqueue_indirect_dma source(%arg7 : memref<128xf32, #tpu.memory_space<vmem>>) target(%dma_start3A_212 : memref<200704xf32, #tpu.memory_space<vmem_shared>>) offsets(%dma_start3A_210 : memref<128xi32, #tpu.memory_space<vmem>>) semaphore(%arg10 : memref<!tpu.dma_semaphore, #tpu.memory_space<semaphore_mem>>) {add = true}
    %dma_start3A_213 = arith.constant 32 : i32
    %dma_start3A_214 = arith.constant 0 : i32
    %dma_start3A_215 = tpu.memref_slice %arg6[%dma_start3A_213, %dma_start3A_214] : memref<50x128xi32, #tpu.memory_space<vmem>> -> memref<1x128xi32, #tpu.memory_space<vmem>>
    %dma_start3A_216 = tpu.memref_squeeze %dma_start3A_215 : memref<1x128xi32, #tpu.memory_space<vmem>> -> memref<128xi32, #tpu.memory_space<vmem>>
    %dma_start3A_217 = arith.constant 0 : i32
    %dma_start3A_218 = tpu.memref_slice %arg9[%dma_start3A_217] : memref<200704xf32, #tpu.memory_space<vmem_shared>> -> memref<200704xf32, #tpu.memory_space<vmem_shared>>
    tpu.enqueue_indirect_dma source(%arg7 : memref<128xf32, #tpu.memory_space<vmem>>) target(%dma_start3A_218 : memref<200704xf32, #tpu.memory_space<vmem_shared>>) offsets(%dma_start3A_216 : memref<128xi32, #tpu.memory_space<vmem>>) semaphore(%arg10 : memref<!tpu.dma_semaphore, #tpu.memory_space<semaphore_mem>>) {add = true}
    %dma_start3A_219 = arith.constant 33 : i32
    %dma_start3A_220 = arith.constant 0 : i32
    %dma_start3A_221 = tpu.memref_slice %arg6[%dma_start3A_219, %dma_start3A_220] : memref<50x128xi32, #tpu.memory_space<vmem>> -> memref<1x128xi32, #tpu.memory_space<vmem>>
    %dma_start3A_222 = tpu.memref_squeeze %dma_start3A_221 : memref<1x128xi32, #tpu.memory_space<vmem>> -> memref<128xi32, #tpu.memory_space<vmem>>
    %dma_start3A_223 = arith.constant 0 : i32
    %dma_start3A_224 = tpu.memref_slice %arg9[%dma_start3A_223] : memref<200704xf32, #tpu.memory_space<vmem_shared>> -> memref<200704xf32, #tpu.memory_space<vmem_shared>>
    tpu.enqueue_indirect_dma source(%arg7 : memref<128xf32, #tpu.memory_space<vmem>>) target(%dma_start3A_224 : memref<200704xf32, #tpu.memory_space<vmem_shared>>) offsets(%dma_start3A_222 : memref<128xi32, #tpu.memory_space<vmem>>) semaphore(%arg10 : memref<!tpu.dma_semaphore, #tpu.memory_space<semaphore_mem>>) {add = true}
    %dma_start3A_225 = arith.constant 34 : i32
    %dma_start3A_226 = arith.constant 0 : i32
    %dma_start3A_227 = tpu.memref_slice %arg6[%dma_start3A_225, %dma_start3A_226] : memref<50x128xi32, #tpu.memory_space<vmem>> -> memref<1x128xi32, #tpu.memory_space<vmem>>
    %dma_start3A_228 = tpu.memref_squeeze %dma_start3A_227 : memref<1x128xi32, #tpu.memory_space<vmem>> -> memref<128xi32, #tpu.memory_space<vmem>>
    %dma_start3A_229 = arith.constant 0 : i32
    %dma_start3A_230 = tpu.memref_slice %arg9[%dma_start3A_229] : memref<200704xf32, #tpu.memory_space<vmem_shared>> -> memref<200704xf32, #tpu.memory_space<vmem_shared>>
    tpu.enqueue_indirect_dma source(%arg7 : memref<128xf32, #tpu.memory_space<vmem>>) target(%dma_start3A_230 : memref<200704xf32, #tpu.memory_space<vmem_shared>>) offsets(%dma_start3A_228 : memref<128xi32, #tpu.memory_space<vmem>>) semaphore(%arg10 : memref<!tpu.dma_semaphore, #tpu.memory_space<semaphore_mem>>) {add = true}
    %dma_start3A_231 = arith.constant 35 : i32
    %dma_start3A_232 = arith.constant 0 : i32
    %dma_start3A_233 = tpu.memref_slice %arg6[%dma_start3A_231, %dma_start3A_232] : memref<50x128xi32, #tpu.memory_space<vmem>> -> memref<1x128xi32, #tpu.memory_space<vmem>>
    %dma_start3A_234 = tpu.memref_squeeze %dma_start3A_233 : memref<1x128xi32, #tpu.memory_space<vmem>> -> memref<128xi32, #tpu.memory_space<vmem>>
    %dma_start3A_235 = arith.constant 0 : i32
    %dma_start3A_236 = tpu.memref_slice %arg9[%dma_start3A_235] : memref<200704xf32, #tpu.memory_space<vmem_shared>> -> memref<200704xf32, #tpu.memory_space<vmem_shared>>
    tpu.enqueue_indirect_dma source(%arg7 : memref<128xf32, #tpu.memory_space<vmem>>) target(%dma_start3A_236 : memref<200704xf32, #tpu.memory_space<vmem_shared>>) offsets(%dma_start3A_234 : memref<128xi32, #tpu.memory_space<vmem>>) semaphore(%arg10 : memref<!tpu.dma_semaphore, #tpu.memory_space<semaphore_mem>>) {add = true}
    %dma_start3A_237 = arith.constant 36 : i32
    %dma_start3A_238 = arith.constant 0 : i32
    %dma_start3A_239 = tpu.memref_slice %arg6[%dma_start3A_237, %dma_start3A_238] : memref<50x128xi32, #tpu.memory_space<vmem>> -> memref<1x128xi32, #tpu.memory_space<vmem>>
    %dma_start3A_240 = tpu.memref_squeeze %dma_start3A_239 : memref<1x128xi32, #tpu.memory_space<vmem>> -> memref<128xi32, #tpu.memory_space<vmem>>
    %dma_start3A_241 = arith.constant 0 : i32
    %dma_start3A_242 = tpu.memref_slice %arg9[%dma_start3A_241] : memref<200704xf32, #tpu.memory_space<vmem_shared>> -> memref<200704xf32, #tpu.memory_space<vmem_shared>>
    tpu.enqueue_indirect_dma source(%arg7 : memref<128xf32, #tpu.memory_space<vmem>>) target(%dma_start3A_242 : memref<200704xf32, #tpu.memory_space<vmem_shared>>) offsets(%dma_start3A_240 : memref<128xi32, #tpu.memory_space<vmem>>) semaphore(%arg10 : memref<!tpu.dma_semaphore, #tpu.memory_space<semaphore_mem>>) {add = true}
    %dma_start3A_243 = arith.constant 37 : i32
    %dma_start3A_244 = arith.constant 0 : i32
    %dma_start3A_245 = tpu.memref_slice %arg6[%dma_start3A_243, %dma_start3A_244] : memref<50x128xi32, #tpu.memory_space<vmem>> -> memref<1x128xi32, #tpu.memory_space<vmem>>
    %dma_start3A_246 = tpu.memref_squeeze %dma_start3A_245 : memref<1x128xi32, #tpu.memory_space<vmem>> -> memref<128xi32, #tpu.memory_space<vmem>>
    %dma_start3A_247 = arith.constant 0 : i32
    %dma_start3A_248 = tpu.memref_slice %arg9[%dma_start3A_247] : memref<200704xf32, #tpu.memory_space<vmem_shared>> -> memref<200704xf32, #tpu.memory_space<vmem_shared>>
    tpu.enqueue_indirect_dma source(%arg7 : memref<128xf32, #tpu.memory_space<vmem>>) target(%dma_start3A_248 : memref<200704xf32, #tpu.memory_space<vmem_shared>>) offsets(%dma_start3A_246 : memref<128xi32, #tpu.memory_space<vmem>>) semaphore(%arg10 : memref<!tpu.dma_semaphore, #tpu.memory_space<semaphore_mem>>) {add = true}
    %dma_start3A_249 = arith.constant 38 : i32
    %dma_start3A_250 = arith.constant 0 : i32
    %dma_start3A_251 = tpu.memref_slice %arg6[%dma_start3A_249, %dma_start3A_250] : memref<50x128xi32, #tpu.memory_space<vmem>> -> memref<1x128xi32, #tpu.memory_space<vmem>>
    %dma_start3A_252 = tpu.memref_squeeze %dma_start3A_251 : memref<1x128xi32, #tpu.memory_space<vmem>> -> memref<128xi32, #tpu.memory_space<vmem>>
    %dma_start3A_253 = arith.constant 0 : i32
    %dma_start3A_254 = tpu.memref_slice %arg9[%dma_start3A_253] : memref<200704xf32, #tpu.memory_space<vmem_shared>> -> memref<200704xf32, #tpu.memory_space<vmem_shared>>
    tpu.enqueue_indirect_dma source(%arg7 : memref<128xf32, #tpu.memory_space<vmem>>) target(%dma_start3A_254 : memref<200704xf32, #tpu.memory_space<vmem_shared>>) offsets(%dma_start3A_252 : memref<128xi32, #tpu.memory_space<vmem>>) semaphore(%arg10 : memref<!tpu.dma_semaphore, #tpu.memory_space<semaphore_mem>>) {add = true}
    %dma_start3A_255 = arith.constant 39 : i32
    %dma_start3A_256 = arith.constant 0 : i32
    %dma_start3A_257 = tpu.memref_slice %arg6[%dma_start3A_255, %dma_start3A_256] : memref<50x128xi32, #tpu.memory_space<vmem>> -> memref<1x128xi32, #tpu.memory_space<vmem>>
    %dma_start3A_258 = tpu.memref_squeeze %dma_start3A_257 : memref<1x128xi32, #tpu.memory_space<vmem>> -> memref<128xi32, #tpu.memory_space<vmem>>
    %dma_start3A_259 = arith.constant 0 : i32
    %dma_start3A_260 = tpu.memref_slice %arg9[%dma_start3A_259] : memref<200704xf32, #tpu.memory_space<vmem_shared>> -> memref<200704xf32, #tpu.memory_space<vmem_shared>>
    tpu.enqueue_indirect_dma source(%arg7 : memref<128xf32, #tpu.memory_space<vmem>>) target(%dma_start3A_260 : memref<200704xf32, #tpu.memory_space<vmem_shared>>) offsets(%dma_start3A_258 : memref<128xi32, #tpu.memory_space<vmem>>) semaphore(%arg10 : memref<!tpu.dma_semaphore, #tpu.memory_space<semaphore_mem>>) {add = true}
    %dma_start3A_261 = arith.constant 40 : i32
    %dma_start3A_262 = arith.constant 0 : i32
    %dma_start3A_263 = tpu.memref_slice %arg6[%dma_start3A_261, %dma_start3A_262] : memref<50x128xi32, #tpu.memory_space<vmem>> -> memref<1x128xi32, #tpu.memory_space<vmem>>
    %dma_start3A_264 = tpu.memref_squeeze %dma_start3A_263 : memref<1x128xi32, #tpu.memory_space<vmem>> -> memref<128xi32, #tpu.memory_space<vmem>>
    %dma_start3A_265 = arith.constant 0 : i32
    %dma_start3A_266 = tpu.memref_slice %arg9[%dma_start3A_265] : memref<200704xf32, #tpu.memory_space<vmem_shared>> -> memref<200704xf32, #tpu.memory_space<vmem_shared>>
    tpu.enqueue_indirect_dma source(%arg7 : memref<128xf32, #tpu.memory_space<vmem>>) target(%dma_start3A_266 : memref<200704xf32, #tpu.memory_space<vmem_shared>>) offsets(%dma_start3A_264 : memref<128xi32, #tpu.memory_space<vmem>>) semaphore(%arg10 : memref<!tpu.dma_semaphore, #tpu.memory_space<semaphore_mem>>) {add = true}
    %dma_start3A_267 = arith.constant 41 : i32
    %dma_start3A_268 = arith.constant 0 : i32
    %dma_start3A_269 = tpu.memref_slice %arg6[%dma_start3A_267, %dma_start3A_268] : memref<50x128xi32, #tpu.memory_space<vmem>> -> memref<1x128xi32, #tpu.memory_space<vmem>>
    %dma_start3A_270 = tpu.memref_squeeze %dma_start3A_269 : memref<1x128xi32, #tpu.memory_space<vmem>> -> memref<128xi32, #tpu.memory_space<vmem>>
    %dma_start3A_271 = arith.constant 0 : i32
    %dma_start3A_272 = tpu.memref_slice %arg9[%dma_start3A_271] : memref<200704xf32, #tpu.memory_space<vmem_shared>> -> memref<200704xf32, #tpu.memory_space<vmem_shared>>
    tpu.enqueue_indirect_dma source(%arg7 : memref<128xf32, #tpu.memory_space<vmem>>) target(%dma_start3A_272 : memref<200704xf32, #tpu.memory_space<vmem_shared>>) offsets(%dma_start3A_270 : memref<128xi32, #tpu.memory_space<vmem>>) semaphore(%arg10 : memref<!tpu.dma_semaphore, #tpu.memory_space<semaphore_mem>>) {add = true}
    %dma_start3A_273 = arith.constant 42 : i32
    %dma_start3A_274 = arith.constant 0 : i32
    %dma_start3A_275 = tpu.memref_slice %arg6[%dma_start3A_273, %dma_start3A_274] : memref<50x128xi32, #tpu.memory_space<vmem>> -> memref<1x128xi32, #tpu.memory_space<vmem>>
    %dma_start3A_276 = tpu.memref_squeeze %dma_start3A_275 : memref<1x128xi32, #tpu.memory_space<vmem>> -> memref<128xi32, #tpu.memory_space<vmem>>
    %dma_start3A_277 = arith.constant 0 : i32
    %dma_start3A_278 = tpu.memref_slice %arg9[%dma_start3A_277] : memref<200704xf32, #tpu.memory_space<vmem_shared>> -> memref<200704xf32, #tpu.memory_space<vmem_shared>>
    tpu.enqueue_indirect_dma source(%arg7 : memref<128xf32, #tpu.memory_space<vmem>>) target(%dma_start3A_278 : memref<200704xf32, #tpu.memory_space<vmem_shared>>) offsets(%dma_start3A_276 : memref<128xi32, #tpu.memory_space<vmem>>) semaphore(%arg10 : memref<!tpu.dma_semaphore, #tpu.memory_space<semaphore_mem>>) {add = true}
    %dma_start3A_279 = arith.constant 43 : i32
    %dma_start3A_280 = arith.constant 0 : i32
    %dma_start3A_281 = tpu.memref_slice %arg6[%dma_start3A_279, %dma_start3A_280] : memref<50x128xi32, #tpu.memory_space<vmem>> -> memref<1x128xi32, #tpu.memory_space<vmem>>
    %dma_start3A_282 = tpu.memref_squeeze %dma_start3A_281 : memref<1x128xi32, #tpu.memory_space<vmem>> -> memref<128xi32, #tpu.memory_space<vmem>>
    %dma_start3A_283 = arith.constant 0 : i32
    %dma_start3A_284 = tpu.memref_slice %arg9[%dma_start3A_283] : memref<200704xf32, #tpu.memory_space<vmem_shared>> -> memref<200704xf32, #tpu.memory_space<vmem_shared>>
    tpu.enqueue_indirect_dma source(%arg7 : memref<128xf32, #tpu.memory_space<vmem>>) target(%dma_start3A_284 : memref<200704xf32, #tpu.memory_space<vmem_shared>>) offsets(%dma_start3A_282 : memref<128xi32, #tpu.memory_space<vmem>>) semaphore(%arg10 : memref<!tpu.dma_semaphore, #tpu.memory_space<semaphore_mem>>) {add = true}
    %dma_start3A_285 = arith.constant 44 : i32
    %dma_start3A_286 = arith.constant 0 : i32
    %dma_start3A_287 = tpu.memref_slice %arg6[%dma_start3A_285, %dma_start3A_286] : memref<50x128xi32, #tpu.memory_space<vmem>> -> memref<1x128xi32, #tpu.memory_space<vmem>>
    %dma_start3A_288 = tpu.memref_squeeze %dma_start3A_287 : memref<1x128xi32, #tpu.memory_space<vmem>> -> memref<128xi32, #tpu.memory_space<vmem>>
    %dma_start3A_289 = arith.constant 0 : i32
    %dma_start3A_290 = tpu.memref_slice %arg9[%dma_start3A_289] : memref<200704xf32, #tpu.memory_space<vmem_shared>> -> memref<200704xf32, #tpu.memory_space<vmem_shared>>
    tpu.enqueue_indirect_dma source(%arg7 : memref<128xf32, #tpu.memory_space<vmem>>) target(%dma_start3A_290 : memref<200704xf32, #tpu.memory_space<vmem_shared>>) offsets(%dma_start3A_288 : memref<128xi32, #tpu.memory_space<vmem>>) semaphore(%arg10 : memref<!tpu.dma_semaphore, #tpu.memory_space<semaphore_mem>>) {add = true}
    %dma_start3A_291 = arith.constant 45 : i32
    %dma_start3A_292 = arith.constant 0 : i32
    %dma_start3A_293 = tpu.memref_slice %arg6[%dma_start3A_291, %dma_start3A_292] : memref<50x128xi32, #tpu.memory_space<vmem>> -> memref<1x128xi32, #tpu.memory_space<vmem>>
    %dma_start3A_294 = tpu.memref_squeeze %dma_start3A_293 : memref<1x128xi32, #tpu.memory_space<vmem>> -> memref<128xi32, #tpu.memory_space<vmem>>
    %dma_start3A_295 = arith.constant 0 : i32
    %dma_start3A_296 = tpu.memref_slice %arg9[%dma_start3A_295] : memref<200704xf32, #tpu.memory_space<vmem_shared>> -> memref<200704xf32, #tpu.memory_space<vmem_shared>>
    tpu.enqueue_indirect_dma source(%arg7 : memref<128xf32, #tpu.memory_space<vmem>>) target(%dma_start3A_296 : memref<200704xf32, #tpu.memory_space<vmem_shared>>) offsets(%dma_start3A_294 : memref<128xi32, #tpu.memory_space<vmem>>) semaphore(%arg10 : memref<!tpu.dma_semaphore, #tpu.memory_space<semaphore_mem>>) {add = true}
    %dma_start3A_297 = arith.constant 46 : i32
    %dma_start3A_298 = arith.constant 0 : i32
    %dma_start3A_299 = tpu.memref_slice %arg6[%dma_start3A_297, %dma_start3A_298] : memref<50x128xi32, #tpu.memory_space<vmem>> -> memref<1x128xi32, #tpu.memory_space<vmem>>
    %dma_start3A_300 = tpu.memref_squeeze %dma_start3A_299 : memref<1x128xi32, #tpu.memory_space<vmem>> -> memref<128xi32, #tpu.memory_space<vmem>>
    %dma_start3A_301 = arith.constant 0 : i32
    %dma_start3A_302 = tpu.memref_slice %arg9[%dma_start3A_301] : memref<200704xf32, #tpu.memory_space<vmem_shared>> -> memref<200704xf32, #tpu.memory_space<vmem_shared>>
    tpu.enqueue_indirect_dma source(%arg7 : memref<128xf32, #tpu.memory_space<vmem>>) target(%dma_start3A_302 : memref<200704xf32, #tpu.memory_space<vmem_shared>>) offsets(%dma_start3A_300 : memref<128xi32, #tpu.memory_space<vmem>>) semaphore(%arg10 : memref<!tpu.dma_semaphore, #tpu.memory_space<semaphore_mem>>) {add = true}
    %dma_start3A_303 = arith.constant 47 : i32
    %dma_start3A_304 = arith.constant 0 : i32
    %dma_start3A_305 = tpu.memref_slice %arg6[%dma_start3A_303, %dma_start3A_304] : memref<50x128xi32, #tpu.memory_space<vmem>> -> memref<1x128xi32, #tpu.memory_space<vmem>>
    %dma_start3A_306 = tpu.memref_squeeze %dma_start3A_305 : memref<1x128xi32, #tpu.memory_space<vmem>> -> memref<128xi32, #tpu.memory_space<vmem>>
    %dma_start3A_307 = arith.constant 0 : i32
    %dma_start3A_308 = tpu.memref_slice %arg9[%dma_start3A_307] : memref<200704xf32, #tpu.memory_space<vmem_shared>> -> memref<200704xf32, #tpu.memory_space<vmem_shared>>
    tpu.enqueue_indirect_dma source(%arg7 : memref<128xf32, #tpu.memory_space<vmem>>) target(%dma_start3A_308 : memref<200704xf32, #tpu.memory_space<vmem_shared>>) offsets(%dma_start3A_306 : memref<128xi32, #tpu.memory_space<vmem>>) semaphore(%arg10 : memref<!tpu.dma_semaphore, #tpu.memory_space<semaphore_mem>>) {add = true}
    %dma_start3A_309 = arith.constant 48 : i32
    %dma_start3A_310 = arith.constant 0 : i32
    %dma_start3A_311 = tpu.memref_slice %arg6[%dma_start3A_309, %dma_start3A_310] : memref<50x128xi32, #tpu.memory_space<vmem>> -> memref<1x128xi32, #tpu.memory_space<vmem>>
    %dma_start3A_312 = tpu.memref_squeeze %dma_start3A_311 : memref<1x128xi32, #tpu.memory_space<vmem>> -> memref<128xi32, #tpu.memory_space<vmem>>
    %dma_start3A_313 = arith.constant 0 : i32
    %dma_start3A_314 = tpu.memref_slice %arg9[%dma_start3A_313] : memref<200704xf32, #tpu.memory_space<vmem_shared>> -> memref<200704xf32, #tpu.memory_space<vmem_shared>>
    tpu.enqueue_indirect_dma source(%arg7 : memref<128xf32, #tpu.memory_space<vmem>>) target(%dma_start3A_314 : memref<200704xf32, #tpu.memory_space<vmem_shared>>) offsets(%dma_start3A_312 : memref<128xi32, #tpu.memory_space<vmem>>) semaphore(%arg10 : memref<!tpu.dma_semaphore, #tpu.memory_space<semaphore_mem>>) {add = true}
    %dma_start3A_315 = arith.constant 49 : i32
    %dma_start3A_316 = arith.constant 0 : i32
    %dma_start3A_317 = tpu.memref_slice %arg6[%dma_start3A_315, %dma_start3A_316] : memref<50x128xi32, #tpu.memory_space<vmem>> -> memref<1x128xi32, #tpu.memory_space<vmem>>
    %dma_start3A_318 = tpu.memref_squeeze %dma_start3A_317 : memref<1x128xi32, #tpu.memory_space<vmem>> -> memref<128xi32, #tpu.memory_space<vmem>>
    %dma_start3A_319 = arith.constant 0 : i32
    %dma_start3A_320 = tpu.memref_slice %arg9[%dma_start3A_319] : memref<200704xf32, #tpu.memory_space<vmem_shared>> -> memref<200704xf32, #tpu.memory_space<vmem_shared>>
    tpu.enqueue_indirect_dma source(%arg7 : memref<128xf32, #tpu.memory_space<vmem>>) target(%dma_start3A_320 : memref<200704xf32, #tpu.memory_space<vmem_shared>>) offsets(%dma_start3A_318 : memref<128xi32, #tpu.memory_space<vmem>>) semaphore(%arg10 : memref<!tpu.dma_semaphore, #tpu.memory_space<semaphore_mem>>) {add = true}
    %dma_wait3A_321 = arith.constant 0 : i32
    %dma_wait3A_322 = arith.constant 0 : i32
    %dma_wait3A_323 = tpu.memref_slice %arg6[%dma_wait3A_321, %dma_wait3A_322] : memref<50x128xi32, #tpu.memory_space<vmem>> -> memref<1x128xi32, #tpu.memory_space<vmem>>
    %dma_wait3A_324 = tpu.memref_squeeze %dma_wait3A_323 : memref<1x128xi32, #tpu.memory_space<vmem>> -> memref<128xi32, #tpu.memory_space<vmem>>
    %dma_wait3A_325 = arith.constant 0 : i32
    %dma_wait3A_326 = tpu.memref_slice %arg9[%dma_wait3A_325] : memref<200704xf32, #tpu.memory_space<vmem_shared>> -> memref<200704xf32, #tpu.memory_space<vmem_shared>>
    tpu.wait_indirect_dma semaphore(%arg10 : memref<!tpu.dma_semaphore, #tpu.memory_space<semaphore_mem>>) src(%arg7 : memref<128xf32, #tpu.memory_space<vmem>>) dst(%dma_wait3A_326 : memref<200704xf32, #tpu.memory_space<vmem_shared>>)
    %dma_wait3A_327 = arith.constant 1 : i32
    %dma_wait3A_328 = arith.constant 0 : i32
    %dma_wait3A_329 = tpu.memref_slice %arg6[%dma_wait3A_327, %dma_wait3A_328] : memref<50x128xi32, #tpu.memory_space<vmem>> -> memref<1x128xi32, #tpu.memory_space<vmem>>
    %dma_wait3A_330 = tpu.memref_squeeze %dma_wait3A_329 : memref<1x128xi32, #tpu.memory_space<vmem>> -> memref<128xi32, #tpu.memory_space<vmem>>
    %dma_wait3A_331 = arith.constant 0 : i32
    %dma_wait3A_332 = tpu.memref_slice %arg9[%dma_wait3A_331] : memref<200704xf32, #tpu.memory_space<vmem_shared>> -> memref<200704xf32, #tpu.memory_space<vmem_shared>>
    tpu.wait_indirect_dma semaphore(%arg10 : memref<!tpu.dma_semaphore, #tpu.memory_space<semaphore_mem>>) src(%arg7 : memref<128xf32, #tpu.memory_space<vmem>>) dst(%dma_wait3A_332 : memref<200704xf32, #tpu.memory_space<vmem_shared>>)
    %dma_wait3A_333 = arith.constant 2 : i32
    %dma_wait3A_334 = arith.constant 0 : i32
    %dma_wait3A_335 = tpu.memref_slice %arg6[%dma_wait3A_333, %dma_wait3A_334] : memref<50x128xi32, #tpu.memory_space<vmem>> -> memref<1x128xi32, #tpu.memory_space<vmem>>
    %dma_wait3A_336 = tpu.memref_squeeze %dma_wait3A_335 : memref<1x128xi32, #tpu.memory_space<vmem>> -> memref<128xi32, #tpu.memory_space<vmem>>
    %dma_wait3A_337 = arith.constant 0 : i32
    %dma_wait3A_338 = tpu.memref_slice %arg9[%dma_wait3A_337] : memref<200704xf32, #tpu.memory_space<vmem_shared>> -> memref<200704xf32, #tpu.memory_space<vmem_shared>>
    tpu.wait_indirect_dma semaphore(%arg10 : memref<!tpu.dma_semaphore, #tpu.memory_space<semaphore_mem>>) src(%arg7 : memref<128xf32, #tpu.memory_space<vmem>>) dst(%dma_wait3A_338 : memref<200704xf32, #tpu.memory_space<vmem_shared>>)
    %dma_wait3A_339 = arith.constant 3 : i32
    %dma_wait3A_340 = arith.constant 0 : i32
    %dma_wait3A_341 = tpu.memref_slice %arg6[%dma_wait3A_339, %dma_wait3A_340] : memref<50x128xi32, #tpu.memory_space<vmem>> -> memref<1x128xi32, #tpu.memory_space<vmem>>
    %dma_wait3A_342 = tpu.memref_squeeze %dma_wait3A_341 : memref<1x128xi32, #tpu.memory_space<vmem>> -> memref<128xi32, #tpu.memory_space<vmem>>
    %dma_wait3A_343 = arith.constant 0 : i32
    %dma_wait3A_344 = tpu.memref_slice %arg9[%dma_wait3A_343] : memref<200704xf32, #tpu.memory_space<vmem_shared>> -> memref<200704xf32, #tpu.memory_space<vmem_shared>>
    tpu.wait_indirect_dma semaphore(%arg10 : memref<!tpu.dma_semaphore, #tpu.memory_space<semaphore_mem>>) src(%arg7 : memref<128xf32, #tpu.memory_space<vmem>>) dst(%dma_wait3A_344 : memref<200704xf32, #tpu.memory_space<vmem_shared>>)
    %dma_wait3A_345 = arith.constant 4 : i32
    %dma_wait3A_346 = arith.constant 0 : i32
    %dma_wait3A_347 = tpu.memref_slice %arg6[%dma_wait3A_345, %dma_wait3A_346] : memref<50x128xi32, #tpu.memory_space<vmem>> -> memref<1x128xi32, #tpu.memory_space<vmem>>
    %dma_wait3A_348 = tpu.memref_squeeze %dma_wait3A_347 : memref<1x128xi32, #tpu.memory_space<vmem>> -> memref<128xi32, #tpu.memory_space<vmem>>
    %dma_wait3A_349 = arith.constant 0 : i32
    %dma_wait3A_350 = tpu.memref_slice %arg9[%dma_wait3A_349] : memref<200704xf32, #tpu.memory_space<vmem_shared>> -> memref<200704xf32, #tpu.memory_space<vmem_shared>>
    tpu.wait_indirect_dma semaphore(%arg10 : memref<!tpu.dma_semaphore, #tpu.memory_space<semaphore_mem>>) src(%arg7 : memref<128xf32, #tpu.memory_space<vmem>>) dst(%dma_wait3A_350 : memref<200704xf32, #tpu.memory_space<vmem_shared>>)
    %dma_wait3A_351 = arith.constant 5 : i32
    %dma_wait3A_352 = arith.constant 0 : i32
    %dma_wait3A_353 = tpu.memref_slice %arg6[%dma_wait3A_351, %dma_wait3A_352] : memref<50x128xi32, #tpu.memory_space<vmem>> -> memref<1x128xi32, #tpu.memory_space<vmem>>
    %dma_wait3A_354 = tpu.memref_squeeze %dma_wait3A_353 : memref<1x128xi32, #tpu.memory_space<vmem>> -> memref<128xi32, #tpu.memory_space<vmem>>
    %dma_wait3A_355 = arith.constant 0 : i32
    %dma_wait3A_356 = tpu.memref_slice %arg9[%dma_wait3A_355] : memref<200704xf32, #tpu.memory_space<vmem_shared>> -> memref<200704xf32, #tpu.memory_space<vmem_shared>>
    tpu.wait_indirect_dma semaphore(%arg10 : memref<!tpu.dma_semaphore, #tpu.memory_space<semaphore_mem>>) src(%arg7 : memref<128xf32, #tpu.memory_space<vmem>>) dst(%dma_wait3A_356 : memref<200704xf32, #tpu.memory_space<vmem_shared>>)
    %dma_wait3A_357 = arith.constant 6 : i32
    %dma_wait3A_358 = arith.constant 0 : i32
    %dma_wait3A_359 = tpu.memref_slice %arg6[%dma_wait3A_357, %dma_wait3A_358] : memref<50x128xi32, #tpu.memory_space<vmem>> -> memref<1x128xi32, #tpu.memory_space<vmem>>
    %dma_wait3A_360 = tpu.memref_squeeze %dma_wait3A_359 : memref<1x128xi32, #tpu.memory_space<vmem>> -> memref<128xi32, #tpu.memory_space<vmem>>
    %dma_wait3A_361 = arith.constant 0 : i32
    %dma_wait3A_362 = tpu.memref_slice %arg9[%dma_wait3A_361] : memref<200704xf32, #tpu.memory_space<vmem_shared>> -> memref<200704xf32, #tpu.memory_space<vmem_shared>>
    tpu.wait_indirect_dma semaphore(%arg10 : memref<!tpu.dma_semaphore, #tpu.memory_space<semaphore_mem>>) src(%arg7 : memref<128xf32, #tpu.memory_space<vmem>>) dst(%dma_wait3A_362 : memref<200704xf32, #tpu.memory_space<vmem_shared>>)
    %dma_wait3A_363 = arith.constant 7 : i32
    %dma_wait3A_364 = arith.constant 0 : i32
    %dma_wait3A_365 = tpu.memref_slice %arg6[%dma_wait3A_363, %dma_wait3A_364] : memref<50x128xi32, #tpu.memory_space<vmem>> -> memref<1x128xi32, #tpu.memory_space<vmem>>
    %dma_wait3A_366 = tpu.memref_squeeze %dma_wait3A_365 : memref<1x128xi32, #tpu.memory_space<vmem>> -> memref<128xi32, #tpu.memory_space<vmem>>
    %dma_wait3A_367 = arith.constant 0 : i32
    %dma_wait3A_368 = tpu.memref_slice %arg9[%dma_wait3A_367] : memref<200704xf32, #tpu.memory_space<vmem_shared>> -> memref<200704xf32, #tpu.memory_space<vmem_shared>>
    tpu.wait_indirect_dma semaphore(%arg10 : memref<!tpu.dma_semaphore, #tpu.memory_space<semaphore_mem>>) src(%arg7 : memref<128xf32, #tpu.memory_space<vmem>>) dst(%dma_wait3A_368 : memref<200704xf32, #tpu.memory_space<vmem_shared>>)
    %dma_wait3A_369 = arith.constant 8 : i32
    %dma_wait3A_370 = arith.constant 0 : i32
    %dma_wait3A_371 = tpu.memref_slice %arg6[%dma_wait3A_369, %dma_wait3A_370] : memref<50x128xi32, #tpu.memory_space<vmem>> -> memref<1x128xi32, #tpu.memory_space<vmem>>
    %dma_wait3A_372 = tpu.memref_squeeze %dma_wait3A_371 : memref<1x128xi32, #tpu.memory_space<vmem>> -> memref<128xi32, #tpu.memory_space<vmem>>
    %dma_wait3A_373 = arith.constant 0 : i32
    %dma_wait3A_374 = tpu.memref_slice %arg9[%dma_wait3A_373] : memref<200704xf32, #tpu.memory_space<vmem_shared>> -> memref<200704xf32, #tpu.memory_space<vmem_shared>>
    tpu.wait_indirect_dma semaphore(%arg10 : memref<!tpu.dma_semaphore, #tpu.memory_space<semaphore_mem>>) src(%arg7 : memref<128xf32, #tpu.memory_space<vmem>>) dst(%dma_wait3A_374 : memref<200704xf32, #tpu.memory_space<vmem_shared>>)
    %dma_wait3A_375 = arith.constant 9 : i32
    %dma_wait3A_376 = arith.constant 0 : i32
    %dma_wait3A_377 = tpu.memref_slice %arg6[%dma_wait3A_375, %dma_wait3A_376] : memref<50x128xi32, #tpu.memory_space<vmem>> -> memref<1x128xi32, #tpu.memory_space<vmem>>
    %dma_wait3A_378 = tpu.memref_squeeze %dma_wait3A_377 : memref<1x128xi32, #tpu.memory_space<vmem>> -> memref<128xi32, #tpu.memory_space<vmem>>
    %dma_wait3A_379 = arith.constant 0 : i32
    %dma_wait3A_380 = tpu.memref_slice %arg9[%dma_wait3A_379] : memref<200704xf32, #tpu.memory_space<vmem_shared>> -> memref<200704xf32, #tpu.memory_space<vmem_shared>>
    tpu.wait_indirect_dma semaphore(%arg10 : memref<!tpu.dma_semaphore, #tpu.memory_space<semaphore_mem>>) src(%arg7 : memref<128xf32, #tpu.memory_space<vmem>>) dst(%dma_wait3A_380 : memref<200704xf32, #tpu.memory_space<vmem_shared>>)
    %dma_wait3A_381 = arith.constant 10 : i32
    %dma_wait3A_382 = arith.constant 0 : i32
    %dma_wait3A_383 = tpu.memref_slice %arg6[%dma_wait3A_381, %dma_wait3A_382] : memref<50x128xi32, #tpu.memory_space<vmem>> -> memref<1x128xi32, #tpu.memory_space<vmem>>
    %dma_wait3A_384 = tpu.memref_squeeze %dma_wait3A_383 : memref<1x128xi32, #tpu.memory_space<vmem>> -> memref<128xi32, #tpu.memory_space<vmem>>
    %dma_wait3A_385 = arith.constant 0 : i32
    %dma_wait3A_386 = tpu.memref_slice %arg9[%dma_wait3A_385] : memref<200704xf32, #tpu.memory_space<vmem_shared>> -> memref<200704xf32, #tpu.memory_space<vmem_shared>>
    tpu.wait_indirect_dma semaphore(%arg10 : memref<!tpu.dma_semaphore, #tpu.memory_space<semaphore_mem>>) src(%arg7 : memref<128xf32, #tpu.memory_space<vmem>>) dst(%dma_wait3A_386 : memref<200704xf32, #tpu.memory_space<vmem_shared>>)
    %dma_wait3A_387 = arith.constant 11 : i32
    %dma_wait3A_388 = arith.constant 0 : i32
    %dma_wait3A_389 = tpu.memref_slice %arg6[%dma_wait3A_387, %dma_wait3A_388] : memref<50x128xi32, #tpu.memory_space<vmem>> -> memref<1x128xi32, #tpu.memory_space<vmem>>
    %dma_wait3A_390 = tpu.memref_squeeze %dma_wait3A_389 : memref<1x128xi32, #tpu.memory_space<vmem>> -> memref<128xi32, #tpu.memory_space<vmem>>
    %dma_wait3A_391 = arith.constant 0 : i32
    %dma_wait3A_392 = tpu.memref_slice %arg9[%dma_wait3A_391] : memref<200704xf32, #tpu.memory_space<vmem_shared>> -> memref<200704xf32, #tpu.memory_space<vmem_shared>>
    tpu.wait_indirect_dma semaphore(%arg10 : memref<!tpu.dma_semaphore, #tpu.memory_space<semaphore_mem>>) src(%arg7 : memref<128xf32, #tpu.memory_space<vmem>>) dst(%dma_wait3A_392 : memref<200704xf32, #tpu.memory_space<vmem_shared>>)
    %dma_wait3A_393 = arith.constant 12 : i32
    %dma_wait3A_394 = arith.constant 0 : i32
    %dma_wait3A_395 = tpu.memref_slice %arg6[%dma_wait3A_393, %dma_wait3A_394] : memref<50x128xi32, #tpu.memory_space<vmem>> -> memref<1x128xi32, #tpu.memory_space<vmem>>
    %dma_wait3A_396 = tpu.memref_squeeze %dma_wait3A_395 : memref<1x128xi32, #tpu.memory_space<vmem>> -> memref<128xi32, #tpu.memory_space<vmem>>
    %dma_wait3A_397 = arith.constant 0 : i32
    %dma_wait3A_398 = tpu.memref_slice %arg9[%dma_wait3A_397] : memref<200704xf32, #tpu.memory_space<vmem_shared>> -> memref<200704xf32, #tpu.memory_space<vmem_shared>>
    tpu.wait_indirect_dma semaphore(%arg10 : memref<!tpu.dma_semaphore, #tpu.memory_space<semaphore_mem>>) src(%arg7 : memref<128xf32, #tpu.memory_space<vmem>>) dst(%dma_wait3A_398 : memref<200704xf32, #tpu.memory_space<vmem_shared>>)
    %dma_wait3A_399 = arith.constant 13 : i32
    %dma_wait3A_400 = arith.constant 0 : i32
    %dma_wait3A_401 = tpu.memref_slice %arg6[%dma_wait3A_399, %dma_wait3A_400] : memref<50x128xi32, #tpu.memory_space<vmem>> -> memref<1x128xi32, #tpu.memory_space<vmem>>
    %dma_wait3A_402 = tpu.memref_squeeze %dma_wait3A_401 : memref<1x128xi32, #tpu.memory_space<vmem>> -> memref<128xi32, #tpu.memory_space<vmem>>
    %dma_wait3A_403 = arith.constant 0 : i32
    %dma_wait3A_404 = tpu.memref_slice %arg9[%dma_wait3A_403] : memref<200704xf32, #tpu.memory_space<vmem_shared>> -> memref<200704xf32, #tpu.memory_space<vmem_shared>>
    tpu.wait_indirect_dma semaphore(%arg10 : memref<!tpu.dma_semaphore, #tpu.memory_space<semaphore_mem>>) src(%arg7 : memref<128xf32, #tpu.memory_space<vmem>>) dst(%dma_wait3A_404 : memref<200704xf32, #tpu.memory_space<vmem_shared>>)
    %dma_wait3A_405 = arith.constant 14 : i32
    %dma_wait3A_406 = arith.constant 0 : i32
    %dma_wait3A_407 = tpu.memref_slice %arg6[%dma_wait3A_405, %dma_wait3A_406] : memref<50x128xi32, #tpu.memory_space<vmem>> -> memref<1x128xi32, #tpu.memory_space<vmem>>
    %dma_wait3A_408 = tpu.memref_squeeze %dma_wait3A_407 : memref<1x128xi32, #tpu.memory_space<vmem>> -> memref<128xi32, #tpu.memory_space<vmem>>
    %dma_wait3A_409 = arith.constant 0 : i32
    %dma_wait3A_410 = tpu.memref_slice %arg9[%dma_wait3A_409] : memref<200704xf32, #tpu.memory_space<vmem_shared>> -> memref<200704xf32, #tpu.memory_space<vmem_shared>>
    tpu.wait_indirect_dma semaphore(%arg10 : memref<!tpu.dma_semaphore, #tpu.memory_space<semaphore_mem>>) src(%arg7 : memref<128xf32, #tpu.memory_space<vmem>>) dst(%dma_wait3A_410 : memref<200704xf32, #tpu.memory_space<vmem_shared>>)
    %dma_wait3A_411 = arith.constant 15 : i32
    %dma_wait3A_412 = arith.constant 0 : i32
    %dma_wait3A_413 = tpu.memref_slice %arg6[%dma_wait3A_411, %dma_wait3A_412] : memref<50x128xi32, #tpu.memory_space<vmem>> -> memref<1x128xi32, #tpu.memory_space<vmem>>
    %dma_wait3A_414 = tpu.memref_squeeze %dma_wait3A_413 : memref<1x128xi32, #tpu.memory_space<vmem>> -> memref<128xi32, #tpu.memory_space<vmem>>
    %dma_wait3A_415 = arith.constant 0 : i32
    %dma_wait3A_416 = tpu.memref_slice %arg9[%dma_wait3A_415] : memref<200704xf32, #tpu.memory_space<vmem_shared>> -> memref<200704xf32, #tpu.memory_space<vmem_shared>>
    tpu.wait_indirect_dma semaphore(%arg10 : memref<!tpu.dma_semaphore, #tpu.memory_space<semaphore_mem>>) src(%arg7 : memref<128xf32, #tpu.memory_space<vmem>>) dst(%dma_wait3A_416 : memref<200704xf32, #tpu.memory_space<vmem_shared>>)
    %dma_wait3A_417 = arith.constant 16 : i32
    %dma_wait3A_418 = arith.constant 0 : i32
    %dma_wait3A_419 = tpu.memref_slice %arg6[%dma_wait3A_417, %dma_wait3A_418] : memref<50x128xi32, #tpu.memory_space<vmem>> -> memref<1x128xi32, #tpu.memory_space<vmem>>
    %dma_wait3A_420 = tpu.memref_squeeze %dma_wait3A_419 : memref<1x128xi32, #tpu.memory_space<vmem>> -> memref<128xi32, #tpu.memory_space<vmem>>
    %dma_wait3A_421 = arith.constant 0 : i32
    %dma_wait3A_422 = tpu.memref_slice %arg9[%dma_wait3A_421] : memref<200704xf32, #tpu.memory_space<vmem_shared>> -> memref<200704xf32, #tpu.memory_space<vmem_shared>>
    tpu.wait_indirect_dma semaphore(%arg10 : memref<!tpu.dma_semaphore, #tpu.memory_space<semaphore_mem>>) src(%arg7 : memref<128xf32, #tpu.memory_space<vmem>>) dst(%dma_wait3A_422 : memref<200704xf32, #tpu.memory_space<vmem_shared>>)
    %dma_wait3A_423 = arith.constant 17 : i32
    %dma_wait3A_424 = arith.constant 0 : i32
    %dma_wait3A_425 = tpu.memref_slice %arg6[%dma_wait3A_423, %dma_wait3A_424] : memref<50x128xi32, #tpu.memory_space<vmem>> -> memref<1x128xi32, #tpu.memory_space<vmem>>
    %dma_wait3A_426 = tpu.memref_squeeze %dma_wait3A_425 : memref<1x128xi32, #tpu.memory_space<vmem>> -> memref<128xi32, #tpu.memory_space<vmem>>
    %dma_wait3A_427 = arith.constant 0 : i32
    %dma_wait3A_428 = tpu.memref_slice %arg9[%dma_wait3A_427] : memref<200704xf32, #tpu.memory_space<vmem_shared>> -> memref<200704xf32, #tpu.memory_space<vmem_shared>>
    tpu.wait_indirect_dma semaphore(%arg10 : memref<!tpu.dma_semaphore, #tpu.memory_space<semaphore_mem>>) src(%arg7 : memref<128xf32, #tpu.memory_space<vmem>>) dst(%dma_wait3A_428 : memref<200704xf32, #tpu.memory_space<vmem_shared>>)
    %dma_wait3A_429 = arith.constant 18 : i32
    %dma_wait3A_430 = arith.constant 0 : i32
    %dma_wait3A_431 = tpu.memref_slice %arg6[%dma_wait3A_429, %dma_wait3A_430] : memref<50x128xi32, #tpu.memory_space<vmem>> -> memref<1x128xi32, #tpu.memory_space<vmem>>
    %dma_wait3A_432 = tpu.memref_squeeze %dma_wait3A_431 : memref<1x128xi32, #tpu.memory_space<vmem>> -> memref<128xi32, #tpu.memory_space<vmem>>
    %dma_wait3A_433 = arith.constant 0 : i32
    %dma_wait3A_434 = tpu.memref_slice %arg9[%dma_wait3A_433] : memref<200704xf32, #tpu.memory_space<vmem_shared>> -> memref<200704xf32, #tpu.memory_space<vmem_shared>>
    tpu.wait_indirect_dma semaphore(%arg10 : memref<!tpu.dma_semaphore, #tpu.memory_space<semaphore_mem>>) src(%arg7 : memref<128xf32, #tpu.memory_space<vmem>>) dst(%dma_wait3A_434 : memref<200704xf32, #tpu.memory_space<vmem_shared>>)
    %dma_wait3A_435 = arith.constant 19 : i32
    %dma_wait3A_436 = arith.constant 0 : i32
    %dma_wait3A_437 = tpu.memref_slice %arg6[%dma_wait3A_435, %dma_wait3A_436] : memref<50x128xi32, #tpu.memory_space<vmem>> -> memref<1x128xi32, #tpu.memory_space<vmem>>
    %dma_wait3A_438 = tpu.memref_squeeze %dma_wait3A_437 : memref<1x128xi32, #tpu.memory_space<vmem>> -> memref<128xi32, #tpu.memory_space<vmem>>
    %dma_wait3A_439 = arith.constant 0 : i32
    %dma_wait3A_440 = tpu.memref_slice %arg9[%dma_wait3A_439] : memref<200704xf32, #tpu.memory_space<vmem_shared>> -> memref<200704xf32, #tpu.memory_space<vmem_shared>>
    tpu.wait_indirect_dma semaphore(%arg10 : memref<!tpu.dma_semaphore, #tpu.memory_space<semaphore_mem>>) src(%arg7 : memref<128xf32, #tpu.memory_space<vmem>>) dst(%dma_wait3A_440 : memref<200704xf32, #tpu.memory_space<vmem_shared>>)
    %dma_wait3A_441 = arith.constant 20 : i32
    %dma_wait3A_442 = arith.constant 0 : i32
    %dma_wait3A_443 = tpu.memref_slice %arg6[%dma_wait3A_441, %dma_wait3A_442] : memref<50x128xi32, #tpu.memory_space<vmem>> -> memref<1x128xi32, #tpu.memory_space<vmem>>
    %dma_wait3A_444 = tpu.memref_squeeze %dma_wait3A_443 : memref<1x128xi32, #tpu.memory_space<vmem>> -> memref<128xi32, #tpu.memory_space<vmem>>
    %dma_wait3A_445 = arith.constant 0 : i32
    %dma_wait3A_446 = tpu.memref_slice %arg9[%dma_wait3A_445] : memref<200704xf32, #tpu.memory_space<vmem_shared>> -> memref<200704xf32, #tpu.memory_space<vmem_shared>>
    tpu.wait_indirect_dma semaphore(%arg10 : memref<!tpu.dma_semaphore, #tpu.memory_space<semaphore_mem>>) src(%arg7 : memref<128xf32, #tpu.memory_space<vmem>>) dst(%dma_wait3A_446 : memref<200704xf32, #tpu.memory_space<vmem_shared>>)
    %dma_wait3A_447 = arith.constant 21 : i32
    %dma_wait3A_448 = arith.constant 0 : i32
    %dma_wait3A_449 = tpu.memref_slice %arg6[%dma_wait3A_447, %dma_wait3A_448] : memref<50x128xi32, #tpu.memory_space<vmem>> -> memref<1x128xi32, #tpu.memory_space<vmem>>
    %dma_wait3A_450 = tpu.memref_squeeze %dma_wait3A_449 : memref<1x128xi32, #tpu.memory_space<vmem>> -> memref<128xi32, #tpu.memory_space<vmem>>
    %dma_wait3A_451 = arith.constant 0 : i32
    %dma_wait3A_452 = tpu.memref_slice %arg9[%dma_wait3A_451] : memref<200704xf32, #tpu.memory_space<vmem_shared>> -> memref<200704xf32, #tpu.memory_space<vmem_shared>>
    tpu.wait_indirect_dma semaphore(%arg10 : memref<!tpu.dma_semaphore, #tpu.memory_space<semaphore_mem>>) src(%arg7 : memref<128xf32, #tpu.memory_space<vmem>>) dst(%dma_wait3A_452 : memref<200704xf32, #tpu.memory_space<vmem_shared>>)
    %dma_wait3A_453 = arith.constant 22 : i32
    %dma_wait3A_454 = arith.constant 0 : i32
    %dma_wait3A_455 = tpu.memref_slice %arg6[%dma_wait3A_453, %dma_wait3A_454] : memref<50x128xi32, #tpu.memory_space<vmem>> -> memref<1x128xi32, #tpu.memory_space<vmem>>
    %dma_wait3A_456 = tpu.memref_squeeze %dma_wait3A_455 : memref<1x128xi32, #tpu.memory_space<vmem>> -> memref<128xi32, #tpu.memory_space<vmem>>
    %dma_wait3A_457 = arith.constant 0 : i32
    %dma_wait3A_458 = tpu.memref_slice %arg9[%dma_wait3A_457] : memref<200704xf32, #tpu.memory_space<vmem_shared>> -> memref<200704xf32, #tpu.memory_space<vmem_shared>>
    tpu.wait_indirect_dma semaphore(%arg10 : memref<!tpu.dma_semaphore, #tpu.memory_space<semaphore_mem>>) src(%arg7 : memref<128xf32, #tpu.memory_space<vmem>>) dst(%dma_wait3A_458 : memref<200704xf32, #tpu.memory_space<vmem_shared>>)
    %dma_wait3A_459 = arith.constant 23 : i32
    %dma_wait3A_460 = arith.constant 0 : i32
    %dma_wait3A_461 = tpu.memref_slice %arg6[%dma_wait3A_459, %dma_wait3A_460] : memref<50x128xi32, #tpu.memory_space<vmem>> -> memref<1x128xi32, #tpu.memory_space<vmem>>
    %dma_wait3A_462 = tpu.memref_squeeze %dma_wait3A_461 : memref<1x128xi32, #tpu.memory_space<vmem>> -> memref<128xi32, #tpu.memory_space<vmem>>
    %dma_wait3A_463 = arith.constant 0 : i32
    %dma_wait3A_464 = tpu.memref_slice %arg9[%dma_wait3A_463] : memref<200704xf32, #tpu.memory_space<vmem_shared>> -> memref<200704xf32, #tpu.memory_space<vmem_shared>>
    tpu.wait_indirect_dma semaphore(%arg10 : memref<!tpu.dma_semaphore, #tpu.memory_space<semaphore_mem>>) src(%arg7 : memref<128xf32, #tpu.memory_space<vmem>>) dst(%dma_wait3A_464 : memref<200704xf32, #tpu.memory_space<vmem_shared>>)
    %dma_wait3A_465 = arith.constant 24 : i32
    %dma_wait3A_466 = arith.constant 0 : i32
    %dma_wait3A_467 = tpu.memref_slice %arg6[%dma_wait3A_465, %dma_wait3A_466] : memref<50x128xi32, #tpu.memory_space<vmem>> -> memref<1x128xi32, #tpu.memory_space<vmem>>
    %dma_wait3A_468 = tpu.memref_squeeze %dma_wait3A_467 : memref<1x128xi32, #tpu.memory_space<vmem>> -> memref<128xi32, #tpu.memory_space<vmem>>
    %dma_wait3A_469 = arith.constant 0 : i32
    %dma_wait3A_470 = tpu.memref_slice %arg9[%dma_wait3A_469] : memref<200704xf32, #tpu.memory_space<vmem_shared>> -> memref<200704xf32, #tpu.memory_space<vmem_shared>>
    tpu.wait_indirect_dma semaphore(%arg10 : memref<!tpu.dma_semaphore, #tpu.memory_space<semaphore_mem>>) src(%arg7 : memref<128xf32, #tpu.memory_space<vmem>>) dst(%dma_wait3A_470 : memref<200704xf32, #tpu.memory_space<vmem_shared>>)
    %dma_wait3A_471 = arith.constant 25 : i32
    %dma_wait3A_472 = arith.constant 0 : i32
    %dma_wait3A_473 = tpu.memref_slice %arg6[%dma_wait3A_471, %dma_wait3A_472] : memref<50x128xi32, #tpu.memory_space<vmem>> -> memref<1x128xi32, #tpu.memory_space<vmem>>
    %dma_wait3A_474 = tpu.memref_squeeze %dma_wait3A_473 : memref<1x128xi32, #tpu.memory_space<vmem>> -> memref<128xi32, #tpu.memory_space<vmem>>
    %dma_wait3A_475 = arith.constant 0 : i32
    %dma_wait3A_476 = tpu.memref_slice %arg9[%dma_wait3A_475] : memref<200704xf32, #tpu.memory_space<vmem_shared>> -> memref<200704xf32, #tpu.memory_space<vmem_shared>>
    tpu.wait_indirect_dma semaphore(%arg10 : memref<!tpu.dma_semaphore, #tpu.memory_space<semaphore_mem>>) src(%arg7 : memref<128xf32, #tpu.memory_space<vmem>>) dst(%dma_wait3A_476 : memref<200704xf32, #tpu.memory_space<vmem_shared>>)
    %dma_wait3A_477 = arith.constant 26 : i32
    %dma_wait3A_478 = arith.constant 0 : i32
    %dma_wait3A_479 = tpu.memref_slice %arg6[%dma_wait3A_477, %dma_wait3A_478] : memref<50x128xi32, #tpu.memory_space<vmem>> -> memref<1x128xi32, #tpu.memory_space<vmem>>
    %dma_wait3A_480 = tpu.memref_squeeze %dma_wait3A_479 : memref<1x128xi32, #tpu.memory_space<vmem>> -> memref<128xi32, #tpu.memory_space<vmem>>
    %dma_wait3A_481 = arith.constant 0 : i32
    %dma_wait3A_482 = tpu.memref_slice %arg9[%dma_wait3A_481] : memref<200704xf32, #tpu.memory_space<vmem_shared>> -> memref<200704xf32, #tpu.memory_space<vmem_shared>>
    tpu.wait_indirect_dma semaphore(%arg10 : memref<!tpu.dma_semaphore, #tpu.memory_space<semaphore_mem>>) src(%arg7 : memref<128xf32, #tpu.memory_space<vmem>>) dst(%dma_wait3A_482 : memref<200704xf32, #tpu.memory_space<vmem_shared>>)
    %dma_wait3A_483 = arith.constant 27 : i32
    %dma_wait3A_484 = arith.constant 0 : i32
    %dma_wait3A_485 = tpu.memref_slice %arg6[%dma_wait3A_483, %dma_wait3A_484] : memref<50x128xi32, #tpu.memory_space<vmem>> -> memref<1x128xi32, #tpu.memory_space<vmem>>
    %dma_wait3A_486 = tpu.memref_squeeze %dma_wait3A_485 : memref<1x128xi32, #tpu.memory_space<vmem>> -> memref<128xi32, #tpu.memory_space<vmem>>
    %dma_wait3A_487 = arith.constant 0 : i32
    %dma_wait3A_488 = tpu.memref_slice %arg9[%dma_wait3A_487] : memref<200704xf32, #tpu.memory_space<vmem_shared>> -> memref<200704xf32, #tpu.memory_space<vmem_shared>>
    tpu.wait_indirect_dma semaphore(%arg10 : memref<!tpu.dma_semaphore, #tpu.memory_space<semaphore_mem>>) src(%arg7 : memref<128xf32, #tpu.memory_space<vmem>>) dst(%dma_wait3A_488 : memref<200704xf32, #tpu.memory_space<vmem_shared>>)
    %dma_wait3A_489 = arith.constant 28 : i32
    %dma_wait3A_490 = arith.constant 0 : i32
    %dma_wait3A_491 = tpu.memref_slice %arg6[%dma_wait3A_489, %dma_wait3A_490] : memref<50x128xi32, #tpu.memory_space<vmem>> -> memref<1x128xi32, #tpu.memory_space<vmem>>
    %dma_wait3A_492 = tpu.memref_squeeze %dma_wait3A_491 : memref<1x128xi32, #tpu.memory_space<vmem>> -> memref<128xi32, #tpu.memory_space<vmem>>
    %dma_wait3A_493 = arith.constant 0 : i32
    %dma_wait3A_494 = tpu.memref_slice %arg9[%dma_wait3A_493] : memref<200704xf32, #tpu.memory_space<vmem_shared>> -> memref<200704xf32, #tpu.memory_space<vmem_shared>>
    tpu.wait_indirect_dma semaphore(%arg10 : memref<!tpu.dma_semaphore, #tpu.memory_space<semaphore_mem>>) src(%arg7 : memref<128xf32, #tpu.memory_space<vmem>>) dst(%dma_wait3A_494 : memref<200704xf32, #tpu.memory_space<vmem_shared>>)
    %dma_wait3A_495 = arith.constant 29 : i32
    %dma_wait3A_496 = arith.constant 0 : i32
    %dma_wait3A_497 = tpu.memref_slice %arg6[%dma_wait3A_495, %dma_wait3A_496] : memref<50x128xi32, #tpu.memory_space<vmem>> -> memref<1x128xi32, #tpu.memory_space<vmem>>
    %dma_wait3A_498 = tpu.memref_squeeze %dma_wait3A_497 : memref<1x128xi32, #tpu.memory_space<vmem>> -> memref<128xi32, #tpu.memory_space<vmem>>
    %dma_wait3A_499 = arith.constant 0 : i32
    %dma_wait3A_500 = tpu.memref_slice %arg9[%dma_wait3A_499] : memref<200704xf32, #tpu.memory_space<vmem_shared>> -> memref<200704xf32, #tpu.memory_space<vmem_shared>>
    tpu.wait_indirect_dma semaphore(%arg10 : memref<!tpu.dma_semaphore, #tpu.memory_space<semaphore_mem>>) src(%arg7 : memref<128xf32, #tpu.memory_space<vmem>>) dst(%dma_wait3A_500 : memref<200704xf32, #tpu.memory_space<vmem_shared>>)
    %dma_wait3A_501 = arith.constant 30 : i32
    %dma_wait3A_502 = arith.constant 0 : i32
    %dma_wait3A_503 = tpu.memref_slice %arg6[%dma_wait3A_501, %dma_wait3A_502] : memref<50x128xi32, #tpu.memory_space<vmem>> -> memref<1x128xi32, #tpu.memory_space<vmem>>
    %dma_wait3A_504 = tpu.memref_squeeze %dma_wait3A_503 : memref<1x128xi32, #tpu.memory_space<vmem>> -> memref<128xi32, #tpu.memory_space<vmem>>
    %dma_wait3A_505 = arith.constant 0 : i32
    %dma_wait3A_506 = tpu.memref_slice %arg9[%dma_wait3A_505] : memref<200704xf32, #tpu.memory_space<vmem_shared>> -> memref<200704xf32, #tpu.memory_space<vmem_shared>>
    tpu.wait_indirect_dma semaphore(%arg10 : memref<!tpu.dma_semaphore, #tpu.memory_space<semaphore_mem>>) src(%arg7 : memref<128xf32, #tpu.memory_space<vmem>>) dst(%dma_wait3A_506 : memref<200704xf32, #tpu.memory_space<vmem_shared>>)
    %dma_wait3A_507 = arith.constant 31 : i32
    %dma_wait3A_508 = arith.constant 0 : i32
    %dma_wait3A_509 = tpu.memref_slice %arg6[%dma_wait3A_507, %dma_wait3A_508] : memref<50x128xi32, #tpu.memory_space<vmem>> -> memref<1x128xi32, #tpu.memory_space<vmem>>
    %dma_wait3A_510 = tpu.memref_squeeze %dma_wait3A_509 : memref<1x128xi32, #tpu.memory_space<vmem>> -> memref<128xi32, #tpu.memory_space<vmem>>
    %dma_wait3A_511 = arith.constant 0 : i32
    %dma_wait3A_512 = tpu.memref_slice %arg9[%dma_wait3A_511] : memref<200704xf32, #tpu.memory_space<vmem_shared>> -> memref<200704xf32, #tpu.memory_space<vmem_shared>>
    tpu.wait_indirect_dma semaphore(%arg10 : memref<!tpu.dma_semaphore, #tpu.memory_space<semaphore_mem>>) src(%arg7 : memref<128xf32, #tpu.memory_space<vmem>>) dst(%dma_wait3A_512 : memref<200704xf32, #tpu.memory_space<vmem_shared>>)
    %dma_wait3A_513 = arith.constant 32 : i32
    %dma_wait3A_514 = arith.constant 0 : i32
    %dma_wait3A_515 = tpu.memref_slice %arg6[%dma_wait3A_513, %dma_wait3A_514] : memref<50x128xi32, #tpu.memory_space<vmem>> -> memref<1x128xi32, #tpu.memory_space<vmem>>
    %dma_wait3A_516 = tpu.memref_squeeze %dma_wait3A_515 : memref<1x128xi32, #tpu.memory_space<vmem>> -> memref<128xi32, #tpu.memory_space<vmem>>
    %dma_wait3A_517 = arith.constant 0 : i32
    %dma_wait3A_518 = tpu.memref_slice %arg9[%dma_wait3A_517] : memref<200704xf32, #tpu.memory_space<vmem_shared>> -> memref<200704xf32, #tpu.memory_space<vmem_shared>>
    tpu.wait_indirect_dma semaphore(%arg10 : memref<!tpu.dma_semaphore, #tpu.memory_space<semaphore_mem>>) src(%arg7 : memref<128xf32, #tpu.memory_space<vmem>>) dst(%dma_wait3A_518 : memref<200704xf32, #tpu.memory_space<vmem_shared>>)
    %dma_wait3A_519 = arith.constant 33 : i32
    %dma_wait3A_520 = arith.constant 0 : i32
    %dma_wait3A_521 = tpu.memref_slice %arg6[%dma_wait3A_519, %dma_wait3A_520] : memref<50x128xi32, #tpu.memory_space<vmem>> -> memref<1x128xi32, #tpu.memory_space<vmem>>
    %dma_wait3A_522 = tpu.memref_squeeze %dma_wait3A_521 : memref<1x128xi32, #tpu.memory_space<vmem>> -> memref<128xi32, #tpu.memory_space<vmem>>
    %dma_wait3A_523 = arith.constant 0 : i32
    %dma_wait3A_524 = tpu.memref_slice %arg9[%dma_wait3A_523] : memref<200704xf32, #tpu.memory_space<vmem_shared>> -> memref<200704xf32, #tpu.memory_space<vmem_shared>>
    tpu.wait_indirect_dma semaphore(%arg10 : memref<!tpu.dma_semaphore, #tpu.memory_space<semaphore_mem>>) src(%arg7 : memref<128xf32, #tpu.memory_space<vmem>>) dst(%dma_wait3A_524 : memref<200704xf32, #tpu.memory_space<vmem_shared>>)
    %dma_wait3A_525 = arith.constant 34 : i32
    %dma_wait3A_526 = arith.constant 0 : i32
    %dma_wait3A_527 = tpu.memref_slice %arg6[%dma_wait3A_525, %dma_wait3A_526] : memref<50x128xi32, #tpu.memory_space<vmem>> -> memref<1x128xi32, #tpu.memory_space<vmem>>
    %dma_wait3A_528 = tpu.memref_squeeze %dma_wait3A_527 : memref<1x128xi32, #tpu.memory_space<vmem>> -> memref<128xi32, #tpu.memory_space<vmem>>
    %dma_wait3A_529 = arith.constant 0 : i32
    %dma_wait3A_530 = tpu.memref_slice %arg9[%dma_wait3A_529] : memref<200704xf32, #tpu.memory_space<vmem_shared>> -> memref<200704xf32, #tpu.memory_space<vmem_shared>>
    tpu.wait_indirect_dma semaphore(%arg10 : memref<!tpu.dma_semaphore, #tpu.memory_space<semaphore_mem>>) src(%arg7 : memref<128xf32, #tpu.memory_space<vmem>>) dst(%dma_wait3A_530 : memref<200704xf32, #tpu.memory_space<vmem_shared>>)
    %dma_wait3A_531 = arith.constant 35 : i32
    %dma_wait3A_532 = arith.constant 0 : i32
    %dma_wait3A_533 = tpu.memref_slice %arg6[%dma_wait3A_531, %dma_wait3A_532] : memref<50x128xi32, #tpu.memory_space<vmem>> -> memref<1x128xi32, #tpu.memory_space<vmem>>
    %dma_wait3A_534 = tpu.memref_squeeze %dma_wait3A_533 : memref<1x128xi32, #tpu.memory_space<vmem>> -> memref<128xi32, #tpu.memory_space<vmem>>
    %dma_wait3A_535 = arith.constant 0 : i32
    %dma_wait3A_536 = tpu.memref_slice %arg9[%dma_wait3A_535] : memref<200704xf32, #tpu.memory_space<vmem_shared>> -> memref<200704xf32, #tpu.memory_space<vmem_shared>>
    tpu.wait_indirect_dma semaphore(%arg10 : memref<!tpu.dma_semaphore, #tpu.memory_space<semaphore_mem>>) src(%arg7 : memref<128xf32, #tpu.memory_space<vmem>>) dst(%dma_wait3A_536 : memref<200704xf32, #tpu.memory_space<vmem_shared>>)
    %dma_wait3A_537 = arith.constant 36 : i32
    %dma_wait3A_538 = arith.constant 0 : i32
    %dma_wait3A_539 = tpu.memref_slice %arg6[%dma_wait3A_537, %dma_wait3A_538] : memref<50x128xi32, #tpu.memory_space<vmem>> -> memref<1x128xi32, #tpu.memory_space<vmem>>
    %dma_wait3A_540 = tpu.memref_squeeze %dma_wait3A_539 : memref<1x128xi32, #tpu.memory_space<vmem>> -> memref<128xi32, #tpu.memory_space<vmem>>
    %dma_wait3A_541 = arith.constant 0 : i32
    %dma_wait3A_542 = tpu.memref_slice %arg9[%dma_wait3A_541] : memref<200704xf32, #tpu.memory_space<vmem_shared>> -> memref<200704xf32, #tpu.memory_space<vmem_shared>>
    tpu.wait_indirect_dma semaphore(%arg10 : memref<!tpu.dma_semaphore, #tpu.memory_space<semaphore_mem>>) src(%arg7 : memref<128xf32, #tpu.memory_space<vmem>>) dst(%dma_wait3A_542 : memref<200704xf32, #tpu.memory_space<vmem_shared>>)
    %dma_wait3A_543 = arith.constant 37 : i32
    %dma_wait3A_544 = arith.constant 0 : i32
    %dma_wait3A_545 = tpu.memref_slice %arg6[%dma_wait3A_543, %dma_wait3A_544] : memref<50x128xi32, #tpu.memory_space<vmem>> -> memref<1x128xi32, #tpu.memory_space<vmem>>
    %dma_wait3A_546 = tpu.memref_squeeze %dma_wait3A_545 : memref<1x128xi32, #tpu.memory_space<vmem>> -> memref<128xi32, #tpu.memory_space<vmem>>
    %dma_wait3A_547 = arith.constant 0 : i32
    %dma_wait3A_548 = tpu.memref_slice %arg9[%dma_wait3A_547] : memref<200704xf32, #tpu.memory_space<vmem_shared>> -> memref<200704xf32, #tpu.memory_space<vmem_shared>>
    tpu.wait_indirect_dma semaphore(%arg10 : memref<!tpu.dma_semaphore, #tpu.memory_space<semaphore_mem>>) src(%arg7 : memref<128xf32, #tpu.memory_space<vmem>>) dst(%dma_wait3A_548 : memref<200704xf32, #tpu.memory_space<vmem_shared>>)
    %dma_wait3A_549 = arith.constant 38 : i32
    %dma_wait3A_550 = arith.constant 0 : i32
    %dma_wait3A_551 = tpu.memref_slice %arg6[%dma_wait3A_549, %dma_wait3A_550] : memref<50x128xi32, #tpu.memory_space<vmem>> -> memref<1x128xi32, #tpu.memory_space<vmem>>
    %dma_wait3A_552 = tpu.memref_squeeze %dma_wait3A_551 : memref<1x128xi32, #tpu.memory_space<vmem>> -> memref<128xi32, #tpu.memory_space<vmem>>
    %dma_wait3A_553 = arith.constant 0 : i32
    %dma_wait3A_554 = tpu.memref_slice %arg9[%dma_wait3A_553] : memref<200704xf32, #tpu.memory_space<vmem_shared>> -> memref<200704xf32, #tpu.memory_space<vmem_shared>>
    tpu.wait_indirect_dma semaphore(%arg10 : memref<!tpu.dma_semaphore, #tpu.memory_space<semaphore_mem>>) src(%arg7 : memref<128xf32, #tpu.memory_space<vmem>>) dst(%dma_wait3A_554 : memref<200704xf32, #tpu.memory_space<vmem_shared>>)
    %dma_wait3A_555 = arith.constant 39 : i32
    %dma_wait3A_556 = arith.constant 0 : i32
    %dma_wait3A_557 = tpu.memref_slice %arg6[%dma_wait3A_555, %dma_wait3A_556] : memref<50x128xi32, #tpu.memory_space<vmem>> -> memref<1x128xi32, #tpu.memory_space<vmem>>
    %dma_wait3A_558 = tpu.memref_squeeze %dma_wait3A_557 : memref<1x128xi32, #tpu.memory_space<vmem>> -> memref<128xi32, #tpu.memory_space<vmem>>
    %dma_wait3A_559 = arith.constant 0 : i32
    %dma_wait3A_560 = tpu.memref_slice %arg9[%dma_wait3A_559] : memref<200704xf32, #tpu.memory_space<vmem_shared>> -> memref<200704xf32, #tpu.memory_space<vmem_shared>>
    tpu.wait_indirect_dma semaphore(%arg10 : memref<!tpu.dma_semaphore, #tpu.memory_space<semaphore_mem>>) src(%arg7 : memref<128xf32, #tpu.memory_space<vmem>>) dst(%dma_wait3A_560 : memref<200704xf32, #tpu.memory_space<vmem_shared>>)
    %dma_wait3A_561 = arith.constant 40 : i32
    %dma_wait3A_562 = arith.constant 0 : i32
    %dma_wait3A_563 = tpu.memref_slice %arg6[%dma_wait3A_561, %dma_wait3A_562] : memref<50x128xi32, #tpu.memory_space<vmem>> -> memref<1x128xi32, #tpu.memory_space<vmem>>
    %dma_wait3A_564 = tpu.memref_squeeze %dma_wait3A_563 : memref<1x128xi32, #tpu.memory_space<vmem>> -> memref<128xi32, #tpu.memory_space<vmem>>
    %dma_wait3A_565 = arith.constant 0 : i32
    %dma_wait3A_566 = tpu.memref_slice %arg9[%dma_wait3A_565] : memref<200704xf32, #tpu.memory_space<vmem_shared>> -> memref<200704xf32, #tpu.memory_space<vmem_shared>>
    tpu.wait_indirect_dma semaphore(%arg10 : memref<!tpu.dma_semaphore, #tpu.memory_space<semaphore_mem>>) src(%arg7 : memref<128xf32, #tpu.memory_space<vmem>>) dst(%dma_wait3A_566 : memref<200704xf32, #tpu.memory_space<vmem_shared>>)
    %dma_wait3A_567 = arith.constant 41 : i32
    %dma_wait3A_568 = arith.constant 0 : i32
    %dma_wait3A_569 = tpu.memref_slice %arg6[%dma_wait3A_567, %dma_wait3A_568] : memref<50x128xi32, #tpu.memory_space<vmem>> -> memref<1x128xi32, #tpu.memory_space<vmem>>
    %dma_wait3A_570 = tpu.memref_squeeze %dma_wait3A_569 : memref<1x128xi32, #tpu.memory_space<vmem>> -> memref<128xi32, #tpu.memory_space<vmem>>
    %dma_wait3A_571 = arith.constant 0 : i32
    %dma_wait3A_572 = tpu.memref_slice %arg9[%dma_wait3A_571] : memref<200704xf32, #tpu.memory_space<vmem_shared>> -> memref<200704xf32, #tpu.memory_space<vmem_shared>>
    tpu.wait_indirect_dma semaphore(%arg10 : memref<!tpu.dma_semaphore, #tpu.memory_space<semaphore_mem>>) src(%arg7 : memref<128xf32, #tpu.memory_space<vmem>>) dst(%dma_wait3A_572 : memref<200704xf32, #tpu.memory_space<vmem_shared>>)
    %dma_wait3A_573 = arith.constant 42 : i32
    %dma_wait3A_574 = arith.constant 0 : i32
    %dma_wait3A_575 = tpu.memref_slice %arg6[%dma_wait3A_573, %dma_wait3A_574] : memref<50x128xi32, #tpu.memory_space<vmem>> -> memref<1x128xi32, #tpu.memory_space<vmem>>
    %dma_wait3A_576 = tpu.memref_squeeze %dma_wait3A_575 : memref<1x128xi32, #tpu.memory_space<vmem>> -> memref<128xi32, #tpu.memory_space<vmem>>
    %dma_wait3A_577 = arith.constant 0 : i32
    %dma_wait3A_578 = tpu.memref_slice %arg9[%dma_wait3A_577] : memref<200704xf32, #tpu.memory_space<vmem_shared>> -> memref<200704xf32, #tpu.memory_space<vmem_shared>>
    tpu.wait_indirect_dma semaphore(%arg10 : memref<!tpu.dma_semaphore, #tpu.memory_space<semaphore_mem>>) src(%arg7 : memref<128xf32, #tpu.memory_space<vmem>>) dst(%dma_wait3A_578 : memref<200704xf32, #tpu.memory_space<vmem_shared>>)
    %dma_wait3A_579 = arith.constant 43 : i32
    %dma_wait3A_580 = arith.constant 0 : i32
    %dma_wait3A_581 = tpu.memref_slice %arg6[%dma_wait3A_579, %dma_wait3A_580] : memref<50x128xi32, #tpu.memory_space<vmem>> -> memref<1x128xi32, #tpu.memory_space<vmem>>
    %dma_wait3A_582 = tpu.memref_squeeze %dma_wait3A_581 : memref<1x128xi32, #tpu.memory_space<vmem>> -> memref<128xi32, #tpu.memory_space<vmem>>
    %dma_wait3A_583 = arith.constant 0 : i32
    %dma_wait3A_584 = tpu.memref_slice %arg9[%dma_wait3A_583] : memref<200704xf32, #tpu.memory_space<vmem_shared>> -> memref<200704xf32, #tpu.memory_space<vmem_shared>>
    tpu.wait_indirect_dma semaphore(%arg10 : memref<!tpu.dma_semaphore, #tpu.memory_space<semaphore_mem>>) src(%arg7 : memref<128xf32, #tpu.memory_space<vmem>>) dst(%dma_wait3A_584 : memref<200704xf32, #tpu.memory_space<vmem_shared>>)
    %dma_wait3A_585 = arith.constant 44 : i32
    %dma_wait3A_586 = arith.constant 0 : i32
    %dma_wait3A_587 = tpu.memref_slice %arg6[%dma_wait3A_585, %dma_wait3A_586] : memref<50x128xi32, #tpu.memory_space<vmem>> -> memref<1x128xi32, #tpu.memory_space<vmem>>
    %dma_wait3A_588 = tpu.memref_squeeze %dma_wait3A_587 : memref<1x128xi32, #tpu.memory_space<vmem>> -> memref<128xi32, #tpu.memory_space<vmem>>
    %dma_wait3A_589 = arith.constant 0 : i32
    %dma_wait3A_590 = tpu.memref_slice %arg9[%dma_wait3A_589] : memref<200704xf32, #tpu.memory_space<vmem_shared>> -> memref<200704xf32, #tpu.memory_space<vmem_shared>>
    tpu.wait_indirect_dma semaphore(%arg10 : memref<!tpu.dma_semaphore, #tpu.memory_space<semaphore_mem>>) src(%arg7 : memref<128xf32, #tpu.memory_space<vmem>>) dst(%dma_wait3A_590 : memref<200704xf32, #tpu.memory_space<vmem_shared>>)
    %dma_wait3A_591 = arith.constant 45 : i32
    %dma_wait3A_592 = arith.constant 0 : i32
    %dma_wait3A_593 = tpu.memref_slice %arg6[%dma_wait3A_591, %dma_wait3A_592] : memref<50x128xi32, #tpu.memory_space<vmem>> -> memref<1x128xi32, #tpu.memory_space<vmem>>
    %dma_wait3A_594 = tpu.memref_squeeze %dma_wait3A_593 : memref<1x128xi32, #tpu.memory_space<vmem>> -> memref<128xi32, #tpu.memory_space<vmem>>
    %dma_wait3A_595 = arith.constant 0 : i32
    %dma_wait3A_596 = tpu.memref_slice %arg9[%dma_wait3A_595] : memref<200704xf32, #tpu.memory_space<vmem_shared>> -> memref<200704xf32, #tpu.memory_space<vmem_shared>>
    tpu.wait_indirect_dma semaphore(%arg10 : memref<!tpu.dma_semaphore, #tpu.memory_space<semaphore_mem>>) src(%arg7 : memref<128xf32, #tpu.memory_space<vmem>>) dst(%dma_wait3A_596 : memref<200704xf32, #tpu.memory_space<vmem_shared>>)
    %dma_wait3A_597 = arith.constant 46 : i32
    %dma_wait3A_598 = arith.constant 0 : i32
    %dma_wait3A_599 = tpu.memref_slice %arg6[%dma_wait3A_597, %dma_wait3A_598] : memref<50x128xi32, #tpu.memory_space<vmem>> -> memref<1x128xi32, #tpu.memory_space<vmem>>
    %dma_wait3A_600 = tpu.memref_squeeze %dma_wait3A_599 : memref<1x128xi32, #tpu.memory_space<vmem>> -> memref<128xi32, #tpu.memory_space<vmem>>
    %dma_wait3A_601 = arith.constant 0 : i32
    %dma_wait3A_602 = tpu.memref_slice %arg9[%dma_wait3A_601] : memref<200704xf32, #tpu.memory_space<vmem_shared>> -> memref<200704xf32, #tpu.memory_space<vmem_shared>>
    tpu.wait_indirect_dma semaphore(%arg10 : memref<!tpu.dma_semaphore, #tpu.memory_space<semaphore_mem>>) src(%arg7 : memref<128xf32, #tpu.memory_space<vmem>>) dst(%dma_wait3A_602 : memref<200704xf32, #tpu.memory_space<vmem_shared>>)
    %dma_wait3A_603 = arith.constant 47 : i32
    %dma_wait3A_604 = arith.constant 0 : i32
    %dma_wait3A_605 = tpu.memref_slice %arg6[%dma_wait3A_603, %dma_wait3A_604] : memref<50x128xi32, #tpu.memory_space<vmem>> -> memref<1x128xi32, #tpu.memory_space<vmem>>
    %dma_wait3A_606 = tpu.memref_squeeze %dma_wait3A_605 : memref<1x128xi32, #tpu.memory_space<vmem>> -> memref<128xi32, #tpu.memory_space<vmem>>
    %dma_wait3A_607 = arith.constant 0 : i32
    %dma_wait3A_608 = tpu.memref_slice %arg9[%dma_wait3A_607] : memref<200704xf32, #tpu.memory_space<vmem_shared>> -> memref<200704xf32, #tpu.memory_space<vmem_shared>>
    tpu.wait_indirect_dma semaphore(%arg10 : memref<!tpu.dma_semaphore, #tpu.memory_space<semaphore_mem>>) src(%arg7 : memref<128xf32, #tpu.memory_space<vmem>>) dst(%dma_wait3A_608 : memref<200704xf32, #tpu.memory_space<vmem_shared>>)
    %dma_wait3A_609 = arith.constant 48 : i32
    %dma_wait3A_610 = arith.constant 0 : i32
    %dma_wait3A_611 = tpu.memref_slice %arg6[%dma_wait3A_609, %dma_wait3A_610] : memref<50x128xi32, #tpu.memory_space<vmem>> -> memref<1x128xi32, #tpu.memory_space<vmem>>
    %dma_wait3A_612 = tpu.memref_squeeze %dma_wait3A_611 : memref<1x128xi32, #tpu.memory_space<vmem>> -> memref<128xi32, #tpu.memory_space<vmem>>
    %dma_wait3A_613 = arith.constant 0 : i32
    %dma_wait3A_614 = tpu.memref_slice %arg9[%dma_wait3A_613] : memref<200704xf32, #tpu.memory_space<vmem_shared>> -> memref<200704xf32, #tpu.memory_space<vmem_shared>>
    tpu.wait_indirect_dma semaphore(%arg10 : memref<!tpu.dma_semaphore, #tpu.memory_space<semaphore_mem>>) src(%arg7 : memref<128xf32, #tpu.memory_space<vmem>>) dst(%dma_wait3A_614 : memref<200704xf32, #tpu.memory_space<vmem_shared>>)
    %dma_wait3A_615 = arith.constant 49 : i32
    %dma_wait3A_616 = arith.constant 0 : i32
    %dma_wait3A_617 = tpu.memref_slice %arg6[%dma_wait3A_615, %dma_wait3A_616] : memref<50x128xi32, #tpu.memory_space<vmem>> -> memref<1x128xi32, #tpu.memory_space<vmem>>
    %dma_wait3A_618 = tpu.memref_squeeze %dma_wait3A_617 : memref<1x128xi32, #tpu.memory_space<vmem>> -> memref<128xi32, #tpu.memory_space<vmem>>
    %dma_wait3A_619 = arith.constant 0 : i32
    %dma_wait3A_620 = tpu.memref_slice %arg9[%dma_wait3A_619] : memref<200704xf32, #tpu.memory_space<vmem_shared>> -> memref<200704xf32, #tpu.memory_space<vmem_shared>>
    tpu.wait_indirect_dma semaphore(%arg10 : memref<!tpu.dma_semaphore, #tpu.memory_space<semaphore_mem>>) src(%arg7 : memref<128xf32, #tpu.memory_space<vmem>>) dst(%dma_wait3A_620 : memref<200704xf32, #tpu.memory_space<vmem_shared>>)
    %barrier3A_621 = arith.constant 0 : index
    tpu.barrier barrier_id(%barrier3A_621)
    %mul3A_622 = arith.constant 16 : i32
    %mul3A_623 = arith.muli %arg0, %mul3A_622 : i32
    %mul3A_624 = arith.constant 12544 : i32
    %mul3A_625 = arith.muli %mul3A_623, %mul3A_624 : i32
    %mul3A_626 = arith.constant 12544 : i32
    %mul3A_627 = arith.muli %arg1, %mul3A_626 : i32
    %add3A_628 = arith.addi %mul3A_625, %mul3A_627 : i32
    %mul3A_629 = arith.constant 12544 : i32
    %mul3A_630 = arith.muli %arg1, %mul3A_629 : i32
    %dma_start3A_631 = tpu.memref_slice %arg5[%add3A_628] : memref<200704xf32, #tpu.memory_space<hbm>> -> memref<12544xf32, #tpu.memory_space<hbm>>
    %dma_start3A_632 = tpu.memref_slice %arg9[%mul3A_630] : memref<200704xf32, #tpu.memory_space<vmem_shared>> -> memref<12544xf32, #tpu.memory_space<vmem_shared>>
    tpu.enqueue_dma source(%dma_start3A_632 : memref<12544xf32, #tpu.memory_space<vmem_shared>>) target(%dma_start3A_631 : memref<12544xf32, #tpu.memory_space<hbm>>) target_semaphore(%arg10 : memref<!tpu.dma_semaphore, #tpu.memory_space<semaphore_mem>>)
    %dma_wait3A_633 = tpu.memref_slice %arg5[%add3A_628] : memref<200704xf32, #tpu.memory_space<hbm>> -> memref<12544xf32, #tpu.memory_space<hbm>>
    %dma_wait3A_634 = tpu.memref_slice %arg9[%mul3A_630] : memref<200704xf32, #tpu.memory_space<vmem_shared>> -> memref<12544xf32, #tpu.memory_space<vmem_shared>>
    tpu.wait_dma2 semaphore(%arg10 : memref<!tpu.dma_semaphore, #tpu.memory_space<semaphore_mem>>) src(%dma_wait3A_634 : memref<12544xf32, #tpu.memory_space<vmem_shared>>) dst(%dma_wait3A_633 : memref<12544xf32, #tpu.memory_space<hbm>>)
    return
  }
}

module attributes {stable_mosaic.version = 14 : i64} {
  func.func @_loss_body(%arg0: i32, %arg1: memref<8x256xf32, #tpu.memory_space<vmem>>, %arg2: memref<1x5000x256xf32, #tpu.memory_space<vmem>>, %arg3: memref<1x5000x256xf32, #tpu.memory_space<vmem>>, %arg4: memref<1x1x1x5000xf32, #tpu.memory_space<vmem>>, %arg5: memref<1x1x1x5000xf32, #tpu.memory_space<vmem>>, %arg6: memref<1x1x1x5000xf32, #tpu.memory_space<vmem>>, %arg7: memref<1x1x1x5000xf32, #tpu.memory_space<vmem>>, %arg8: memref<1x1xf32, #tpu.memory_space<smem>>) attributes {dimension_semantics = [#tpu.dimension_semantics<arbitrary>], iteration_bounds = array<i64: 10>, scalar_prefetch = 0 : i64, scratch_operands = 0 : i64, tpu.core_type = #tpu.core_type<tc>, window_params = [{pipeline_mode = #tpu.pipeline_mode<synchronous>, transform_indices = @transform_0, window_bounds = array<i64: 8, 256>}, {transform_indices = @transform_1, window_bounds = array<i64: 1, 5000, 256>}, {transform_indices = @transform_2, window_bounds = array<i64: 1, 5000, 256>}, {transform_indices = @transform_3, window_bounds = array<i64: 1, 1, 1, 5000>}, {transform_indices = @transform_4, window_bounds = array<i64: 1, 1, 1, 5000>}, {transform_indices = @transform_5, window_bounds = array<i64: 1, 1, 1, 5000>}, {transform_indices = @transform_6, window_bounds = array<i64: 1, 1, 1, 5000>}, {transform_indices = @transform_7, window_bounds = array<i64: 1, 1>}]} {
    %eq3A = arith.constant 0 : i32
    %eq3A_0 = arith.cmpi eq, %arg0, %eq3A : i32
    %convert_element_type3A = arith.extui %eq3A_0 : i1 to i32
    %cond3A = arith.constant 0 : i32
    %cond3A_1 = arith.cmpi ne, %convert_element_type3A, %cond3A : i32
    scf.if %cond3A_1 {
      %swap3A_106 = arith.constant 0.000000e+00 : f32
      %swap3A_107 = arith.constant 0 : index
      %swap3A_108 = arith.constant 0 : index
      %swap3A_109 = memref.load %arg8[%swap3A_107, %swap3A_108] : memref<1x1xf32, #tpu.memory_space<smem>>
      memref.store %swap3A_106, %arg8[%swap3A_107, %swap3A_108] : memref<1x1xf32, #tpu.memory_space<smem>>
    } else {
    }
    %get3A = arith.constant 0 : index
    %get3A_2 = arith.constant 0 : index
    %get3A_3 = vector.load %arg1[%get3A, %get3A_2] : memref<8x256xf32, #tpu.memory_space<vmem>>, vector<1x256xf32>
    %get3A_4 = vector.shape_cast %get3A_3 : vector<1x256xf32> to vector<256xf32>
    %broadcast_in_dim3A = vector.shape_cast %get3A_4 : vector<256xf32> to vector<1x256xf32>
    %get3A_5 = arith.constant 1 : index
    %get3A_6 = arith.constant 0 : index
    %get3A_7 = vector.load %arg1[%get3A_5, %get3A_6] : memref<8x256xf32, #tpu.memory_space<vmem>>, vector<1x256xf32>
    %get3A_8 = vector.shape_cast %get3A_7 : vector<1x256xf32> to vector<256xf32>
    %broadcast_in_dim3A_9 = vector.shape_cast %get3A_8 : vector<256xf32> to vector<1x256xf32>
    %get3A_10 = arith.constant 0 : index
    %get3A_11 = arith.constant 0 : index
    %get3A_12 = arith.constant 0 : index
    %get3A_13 = vector.load %arg2[%get3A_10, %get3A_11, %get3A_12] : memref<1x5000x256xf32, #tpu.memory_space<vmem>>, vector<1x5000x256xf32>
    %get3A_14 = vector.shape_cast %get3A_13 : vector<1x5000x256xf32> to vector<5000x256xf32>
    %sub3A = vector.broadcast %broadcast_in_dim3A : vector<1x256xf32> to vector<5000x256xf32>
    %sub3A_15 = arith.subf %sub3A, %get3A_14 : vector<5000x256xf32>
    %max3A = arith.constant 0.000000e+00 : f32
    %max3A_16 = vector.broadcast %max3A : f32 to vector<5000x256xf32>
    %max3A_17 = arith.maximumf %sub3A_15, %max3A_16 : vector<5000x256xf32>
    %convert_element_type3A_18 = arith.truncf %max3A_17 : vector<5000x256xf32> to vector<5000x256xbf16>
    %sub3A_19 = vector.broadcast %broadcast_in_dim3A_9 : vector<1x256xf32> to vector<5000x256xf32>
    %sub3A_20 = arith.subf %get3A_14, %sub3A_19 : vector<5000x256xf32>
    %max3A_21 = arith.constant 0.000000e+00 : f32
    %max3A_22 = vector.broadcast %max3A_21 : f32 to vector<5000x256xf32>
    %max3A_23 = arith.maximumf %sub3A_20, %max3A_22 : vector<5000x256xf32>
    %convert_element_type3A_24 = arith.truncf %max3A_23 : vector<5000x256xf32> to vector<5000x256xbf16>
    %get3A_25 = arith.constant 0 : index
    %get3A_26 = arith.constant 0 : index
    %get3A_27 = arith.constant 0 : index
    %get3A_28 = arith.constant 0 : index
    %get3A_29 = vector.load %arg4[%get3A_25, %get3A_26, %get3A_27, %get3A_28] : memref<1x1x1x5000xf32, #tpu.memory_space<vmem>>, vector<1x1x1x5000xf32>
    %get3A_30 = vector.shape_cast %get3A_29 : vector<1x1x1x5000xf32> to vector<5000xf32>
    %convert_element_type3A_31 = arith.truncf %get3A_30 : vector<5000xf32> to vector<5000xbf16>
    %get3A_32 = arith.constant 0 : index
    %get3A_33 = arith.constant 0 : index
    %get3A_34 = arith.constant 0 : index
    %get3A_35 = arith.constant 0 : index
    %get3A_36 = vector.load %arg5[%get3A_32, %get3A_33, %get3A_34, %get3A_35] : memref<1x1x1x5000xf32, #tpu.memory_space<vmem>>, vector<1x1x1x5000xf32>
    %get3A_37 = vector.shape_cast %get3A_36 : vector<1x1x1x5000xf32> to vector<5000xf32>
    %convert_element_type3A_38 = arith.truncf %get3A_37 : vector<5000xf32> to vector<5000xbf16>
    %dot_general3A = arith.constant dense<0.000000e+00> : vector<256xf32>
    %dot_general3A_39 = tpu.matmul %convert_element_type3A_31, %convert_element_type3A_18, %dot_general3A {dimension_numbers = #tpu.dot_dimension_numbers<[0], [0], [], [1], [1, 1], [], []>, transpose_lhs_hint = false} : vector<5000xbf16>, vector<5000x256xbf16>, vector<256xf32> -> vector<256xf32>
    %dot_general3A_40 = arith.constant dense<0.000000e+00> : vector<256xf32>
    %dot_general3A_41 = tpu.matmul %convert_element_type3A_38, %convert_element_type3A_24, %dot_general3A_40 {dimension_numbers = #tpu.dot_dimension_numbers<[0], [0], [], [1], [1, 1], [], []>, transpose_lhs_hint = false} : vector<5000xbf16>, vector<5000x256xbf16>, vector<256xf32> -> vector<256xf32>
    %reduce_sum3A = vector.shape_cast %dot_general3A_39 : vector<256xf32> to vector<1x256xf32>
    %reduce_sum3A_42 = arith.constant dense<0.000000e+00> : vector<1xf32>
    %reduce_sum3A_43 = vector.multi_reduction <add>, %reduce_sum3A, %reduce_sum3A_42 [1] : vector<1x256xf32> to vector<1xf32>
    %reduce_sum3A_44 = vector.shape_cast %reduce_sum3A_43 : vector<1xf32> to vector<1x1xf32>
    %reduce_sum3A_45 = vector.extract %reduce_sum3A_44[0, 0] : f32 from vector<1x1xf32>
    %reduce_sum3A_46 = vector.shape_cast %dot_general3A_41 : vector<256xf32> to vector<1x256xf32>
    %reduce_sum3A_47 = arith.constant dense<0.000000e+00> : vector<1xf32>
    %reduce_sum3A_48 = vector.multi_reduction <add>, %reduce_sum3A_46, %reduce_sum3A_47 [1] : vector<1x256xf32> to vector<1xf32>
    %reduce_sum3A_49 = vector.shape_cast %reduce_sum3A_48 : vector<1xf32> to vector<1x1xf32>
    %reduce_sum3A_50 = vector.extract %reduce_sum3A_49[0, 0] : f32 from vector<1x1xf32>
    %add3A = arith.addf %reduce_sum3A_45, %reduce_sum3A_50 : f32
    %add3A_51 = arith.constant 0.000000e+00 : f32
    %add3A_52 = arith.addf %add3A_51, %add3A : f32
    %get3A_53 = arith.constant 0 : index
    %get3A_54 = arith.constant 0 : index
    %get3A_55 = arith.constant 0 : index
    %get3A_56 = vector.load %arg3[%get3A_53, %get3A_54, %get3A_55] : memref<1x5000x256xf32, #tpu.memory_space<vmem>>, vector<1x5000x256xf32>
    %get3A_57 = vector.shape_cast %get3A_56 : vector<1x5000x256xf32> to vector<5000x256xf32>
    %sub3A_58 = vector.broadcast %broadcast_in_dim3A : vector<1x256xf32> to vector<5000x256xf32>
    %sub3A_59 = arith.subf %sub3A_58, %get3A_57 : vector<5000x256xf32>
    %max3A_60 = arith.constant 0.000000e+00 : f32
    %max3A_61 = vector.broadcast %max3A_60 : f32 to vector<5000x256xf32>
    %max3A_62 = arith.maximumf %sub3A_59, %max3A_61 : vector<5000x256xf32>
    %convert_element_type3A_63 = arith.truncf %max3A_62 : vector<5000x256xf32> to vector<5000x256xbf16>
    %sub3A_64 = vector.broadcast %broadcast_in_dim3A_9 : vector<1x256xf32> to vector<5000x256xf32>
    %sub3A_65 = arith.subf %get3A_57, %sub3A_64 : vector<5000x256xf32>
    %max3A_66 = arith.constant 0.000000e+00 : f32
    %max3A_67 = vector.broadcast %max3A_66 : f32 to vector<5000x256xf32>
    %max3A_68 = arith.maximumf %sub3A_65, %max3A_67 : vector<5000x256xf32>
    %convert_element_type3A_69 = arith.truncf %max3A_68 : vector<5000x256xf32> to vector<5000x256xbf16>
    %get3A_70 = arith.constant 0 : index
    %get3A_71 = arith.constant 0 : index
    %get3A_72 = arith.constant 0 : index
    %get3A_73 = arith.constant 0 : index
    %get3A_74 = vector.load %arg6[%get3A_70, %get3A_71, %get3A_72, %get3A_73] : memref<1x1x1x5000xf32, #tpu.memory_space<vmem>>, vector<1x1x1x5000xf32>
    %get3A_75 = vector.shape_cast %get3A_74 : vector<1x1x1x5000xf32> to vector<5000xf32>
    %convert_element_type3A_76 = arith.truncf %get3A_75 : vector<5000xf32> to vector<5000xbf16>
    %get3A_77 = arith.constant 0 : index
    %get3A_78 = arith.constant 0 : index
    %get3A_79 = arith.constant 0 : index
    %get3A_80 = arith.constant 0 : index
    %get3A_81 = vector.load %arg7[%get3A_77, %get3A_78, %get3A_79, %get3A_80] : memref<1x1x1x5000xf32, #tpu.memory_space<vmem>>, vector<1x1x1x5000xf32>
    %get3A_82 = vector.shape_cast %get3A_81 : vector<1x1x1x5000xf32> to vector<5000xf32>
    %convert_element_type3A_83 = arith.truncf %get3A_82 : vector<5000xf32> to vector<5000xbf16>
    %dot_general3A_84 = arith.constant dense<0.000000e+00> : vector<256xf32>
    %dot_general3A_85 = tpu.matmul %convert_element_type3A_76, %convert_element_type3A_63, %dot_general3A_84 {dimension_numbers = #tpu.dot_dimension_numbers<[0], [0], [], [1], [1, 1], [], []>, transpose_lhs_hint = false} : vector<5000xbf16>, vector<5000x256xbf16>, vector<256xf32> -> vector<256xf32>
    %dot_general3A_86 = arith.constant dense<0.000000e+00> : vector<256xf32>
    %dot_general3A_87 = tpu.matmul %convert_element_type3A_83, %convert_element_type3A_69, %dot_general3A_86 {dimension_numbers = #tpu.dot_dimension_numbers<[0], [0], [], [1], [1, 1], [], []>, transpose_lhs_hint = false} : vector<5000xbf16>, vector<5000x256xbf16>, vector<256xf32> -> vector<256xf32>
    %reduce_sum3A_88 = vector.shape_cast %dot_general3A_85 : vector<256xf32> to vector<1x256xf32>
    %reduce_sum3A_89 = arith.constant dense<0.000000e+00> : vector<1xf32>
    %reduce_sum3A_90 = vector.multi_reduction <add>, %reduce_sum3A_88, %reduce_sum3A_89 [1] : vector<1x256xf32> to vector<1xf32>
    %reduce_sum3A_91 = vector.shape_cast %reduce_sum3A_90 : vector<1xf32> to vector<1x1xf32>
    %reduce_sum3A_92 = vector.extract %reduce_sum3A_91[0, 0] : f32 from vector<1x1xf32>
    %reduce_sum3A_93 = vector.shape_cast %dot_general3A_87 : vector<256xf32> to vector<1x256xf32>
    %reduce_sum3A_94 = arith.constant dense<0.000000e+00> : vector<1xf32>
    %reduce_sum3A_95 = vector.multi_reduction <add>, %reduce_sum3A_93, %reduce_sum3A_94 [1] : vector<1x256xf32> to vector<1xf32>
    %reduce_sum3A_96 = vector.shape_cast %reduce_sum3A_95 : vector<1xf32> to vector<1x1xf32>
    %reduce_sum3A_97 = vector.extract %reduce_sum3A_96[0, 0] : f32 from vector<1x1xf32>
    %add3A_98 = arith.addf %reduce_sum3A_92, %reduce_sum3A_97 : f32
    %add3A_99 = arith.addf %add3A_52, %add3A_98 : f32
    %get3A_100 = arith.constant 0 : index
    %get3A_101 = arith.constant 0 : index
    %get3A_102 = memref.load %arg8[%get3A_100, %get3A_101] : memref<1x1xf32, #tpu.memory_space<smem>>
    %add3A_103 = arith.addf %get3A_102, %add3A_99 : f32
    %swap3A = arith.constant 0 : index
    %swap3A_104 = arith.constant 0 : index
    %swap3A_105 = memref.load %arg8[%swap3A, %swap3A_104] : memref<1x1xf32, #tpu.memory_space<smem>>
    memref.store %add3A_103, %arg8[%swap3A, %swap3A_104] : memref<1x1xf32, #tpu.memory_space<smem>>
    return
  }
  func.func @transform_0(%arg0: i32) -> (i32, i32) {
    %c0_i32 = arith.constant 0 : i32
    %c0_i32_0 = arith.constant 0 : i32
    %c0_i32_1 = arith.constant 0 : i32
    return %c0_i32, %c0_i32_0 : i32, i32
  }
  func.func @transform_1(%arg0: i32) -> (i32, i32, i32) {
    %c0_i32 = arith.constant 0 : i32
    %c0_i32_0 = arith.constant 0 : i32
    %c0_i32_1 = arith.constant 0 : i32
    return %c0_i32, %arg0, %c0_i32_0 : i32, i32, i32
  }
  func.func @transform_2(%arg0: i32) -> (i32, i32, i32) {
    %c1_i32 = arith.constant 1 : i32
    %c0_i32 = arith.constant 0 : i32
    %c0_i32_0 = arith.constant 0 : i32
    return %c1_i32, %arg0, %c0_i32 : i32, i32, i32
  }
  func.func @transform_3(%arg0: i32) -> (i32, i32, i32, i32) {
    %c0_i32 = arith.constant 0 : i32
    %c0_i32_0 = arith.constant 0 : i32
    %c0_i32_1 = arith.constant 0 : i32
    %c0_i32_2 = arith.constant 0 : i32
    return %c0_i32, %arg0, %c0_i32_0, %c0_i32_1 : i32, i32, i32, i32
  }
  func.func @transform_4(%arg0: i32) -> (i32, i32, i32, i32) {
    %c0_i32 = arith.constant 0 : i32
    %c0_i32_0 = arith.constant 0 : i32
    %c0_i32_1 = arith.constant 0 : i32
    %c0_i32_2 = arith.constant 0 : i32
    return %c0_i32, %arg0, %c0_i32_0, %c0_i32_1 : i32, i32, i32, i32
  }
  func.func @transform_5(%arg0: i32) -> (i32, i32, i32, i32) {
    %c1_i32 = arith.constant 1 : i32
    %c0_i32 = arith.constant 0 : i32
    %c0_i32_0 = arith.constant 0 : i32
    %c0_i32_1 = arith.constant 0 : i32
    return %c1_i32, %arg0, %c0_i32, %c0_i32_0 : i32, i32, i32, i32
  }
  func.func @transform_6(%arg0: i32) -> (i32, i32, i32, i32) {
    %c1_i32 = arith.constant 1 : i32
    %c0_i32 = arith.constant 0 : i32
    %c0_i32_0 = arith.constant 0 : i32
    %c0_i32_1 = arith.constant 0 : i32
    return %c1_i32, %arg0, %c0_i32, %c0_i32_0 : i32, i32, i32, i32
  }
  func.func @transform_7(%arg0: i32) -> (i32, i32) {
    %c0_i32 = arith.constant 0 : i32
    %c0_i32_0 = arith.constant 0 : i32
    %c0_i32_1 = arith.constant 0 : i32
    return %c0_i32, %c0_i32_0 : i32, i32
  }
}

</mosaic_0001>

<sc_bundles>
// kernel: kernel.4.cloned.1.call-start
scs
__scs_entry_jumppad:
0x0: {  	(pc) =	sbr.rel $0x88, $3  }
0x1: {  	(tag) =	ssettag $0x0;
	lr =	simm.s32 $0x1  }
0x2: {  	[smem:$0x3F9D] =	sst lr;
	_ =	strace $0xD0000000  }
0x3: {  	_ = 	snop  }
0x4: {  	_ = 	snop  }
0x5: {  	_ = 	snop  }
0x6: {  	_ = 	snop  }
0x7: {  	_ = 	snop  }
__scs_overlays_trampoline_lowered:
0x8: {  	[smem:$0x3FAC] =	sst s0  }
0x9: {  	[smem:$0x3FAD] =	sst s1  }
0xa: {  	[smem:$0x3FAE] =	sst s2  }
0xb: {  	[smem:$0x3FAF] =	sst s3  }
0xc: {  	[smem:$0x3FB0] =	sst s4  }
0xd: {  	[smem:$0x3FB1] =	sst s5  }
0xe: {  	[smem:$0x3FB2] =	sst s6  }
0xf: {  	[smem:$0x3FB3] =	sst s7  }
0x10: {  	[smem:$0x3FB4] =	sst s8  }
0x11: {  	[smem:$0x3FB5] =	sst s9;
	s0 =	simm.s32 @!p0 $0x0  }
0x12: {  	s1 =	sld [smem:$0x3F9B];
	s0 =	simm.s32 @p0 $0x1  }
0x13: {  	[smem:$0x3FB6] =	sst s0;
	s0 =	simm.s32 @!p1 $0x0  }
0x14: {  	s2 =	sld [smem:$0x3F9A];
	s0 =	simm.s32 @p1 $0x1  }
0x15: {  	[smem:$0x3FB7] =	sst s0;
	s0 =	simm.s32 @!p2 $0x0  }
0x16: {  	s3 =	sld [smem:$0x3FDB];
	s0 =	simm.s32 @p2 $0x1  }
0x17: {  	s4 =	simm.s32 $0x1BF5;
	[smem:$0x3FB9] =	sst s0  }
0x18: {  	s0 =	sld [smem:$0x3F9C];
	_ =	swait.ge [sflag:s4], $0x0  }
0x19: {  	s7 =	sld [smem:$0x3F9D]  }
0x1a: {  	s8 =	sadd.s32 $0xFFFFE003, lr  }
0x1b: {  	s9 =	sadd.s32 $0xFFFFFEF7, lr;
	s5 =	simm.s32 $0xFFFFFFFF;
	p2 =	slt.u32 s8, $0xFFFFF086  }
0x1c: {  	p1 =	slt.u32 s9, $0xF7A;
	s5 =	simm.s32 @!p2 $0x0  }
0x1d: {  	s5 =	simm.s32 @p1 $0x1;
	p0 =	seq.s32 s7, s2  }
0x1e: {  	s7 =	smul.u32 @!p0 $0xF7A, s2;
	p2 =	seq.s32 @!p0 s5, $0x0  }
0x1f: {  	s9 =	smul.u32 $0xF7A, s1;
	s8 =	simm.s32 @!p0 $0x1BF5;
	p2 =	por !p2, p0  }
0x20: {  	[sflag:s8] =	ssyncset.s32 @!p0 $0xFFFFF086;
	s6 =	sadd.s32 @!p0 s3, s7;
	s7 =	simm.s32 @!p0 $0x108  }
0x21: {  	s3 =	sadd.s32 s3, s9;
	s6 =	sadd.s32 @!p0 $0x88, s6;
	s7 =	simm.s32 @p2 $0x1082  }
0x22: {  	[simem:s7], [sflag:s8] =	dma.local @!p0 [hbm:s6], $0xF7A  }
0x23: {  	s9 =	sor.u32 $0xD0000000, s2;
	s6 =	simm.s32 $0x108;
	_ =	swait.ge @!p0 [sflag:s8], $0x0  }
0x24: {  	s3 =	sadd.s32 $0x88, s3;
	s6 =	simm.s32 @!p1 $0x1082;
	[sflag:s4] =	ssyncset.s32 $0xFFFFF086  }
0x25: {  	[simem:s6], [sflag:s4] =	dma.local [hbm:s3], $0xF7A  }
0x26: {  	[smem:$0x3F9D] =	sst s1;
	(tag) =	ssettag s2;
	_ =	strace s9  }
0x27: {  	s1 =	sld [smem:$0x3FAD]  }
0x28: {  	s2 =	sld [smem:$0x3FAE]  }
0x29: {  	s4 =	sld [smem:$0x3FB0]  }
0x2a: {  	p0 =	seq.s32 s5, $0x0;
	s5 =	sld [smem:$0x3FB1]  }
0x2b: {  	s6 =	sld [smem:$0x3FB2]  }
0x2c: {  	s7 =	sld [smem:$0x3FB3]  }
0x2d: {  	s3 =	simm.s32 $0x108;
	s8 =	sld [smem:$0x3FB4]  }
0x2e: {  	s3 =	simm.s32 @!p0 $0x1082;
	s9 =	sld [smem:$0x3FB5]  }
0x2f: {  	lr =	sadd.s32 s0, s3;
	s0 =	sld [smem:$0x3FAC]  }
0x30: {  	s3 =	sld [smem:$0x3FAF]  }
0x31: {  	[smem:$0x3FB8] =	sst s10  }
0x32: {  	s10 =	sld [smem:$0x3FB6];
	_ =	sdelay $0x3  }
0x33: {  	p0 =	seq.s32 s10, $0x1;
	s10 =	sld [smem:$0x3FB8];
	_ =	sdelay $0x3  }
0x34: {  	[smem:$0x3FB8] =	sst s10  }
0x35: {  	s10 =	sld [smem:$0x3FB7];
	_ =	sdelay $0x3  }
0x36: {  	p1 =	seq.s32 s10, $0x1;
	s10 =	sld [smem:$0x3FB8];
	_ =	sdelay $0x3  }
0x37: {  	[smem:$0x3FB8] =	sst s10  }
0x38: {  	s10 =	sld [smem:$0x3FB9]  }
0x39: {  	_ = 	snop;
	(pc) =	sbr.ind lr, $3  }
0x3a: {  	_ = 	snop  }
0x3b: {  	_ = 	snop  }
0x3c: {  	p2 =	seq.s32 s10, $0x1;
	s10 =	sld [smem:$0x3FB8]  }
0x3d: {  	_ =	shalt  }
0x3e: {  	_ =	shalt  }
0x3f: {  	_ =	shalt  }
0x40: {  	_ =	shalt  }
0x41: {  	_ =	shalt  }
0x42: {  	_ =	shalt  }
0x43: {  	_ =	shalt  }
0x44: {  	_ =	shalt  }
0x45: {  	_ =	shalt  }
0x46: {  	_ =	shalt  }
0x47: {  	_ =	shalt  }
0x48: {  	_ =	shalt  }
0x49: {  	_ =	shalt  }
0x4a: {  	_ =	shalt  }
0x4b: {  	_ =	shalt  }
0x4c: {  	_ =	shalt  }
0x4d: {  	_ =	shalt  }
0x4e: {  	_ =	shalt  }
0x4f: {  	_ =	shalt  }
0x50: {  	_ =	shalt  }
0x51: {  	_ =	shalt  }
0x52: {  	_ =	shalt  }
0x53: {  	_ =	shalt  }
0x54: {  	_ =	shalt  }
0x55: {  	_ =	shalt  }
0x56: {  	_ =	shalt  }
0x57: {  	_ =	shalt  }
0x58: {  	_ =	shalt  }
0x59: {  	_ =	shalt  }
0x5a: {  	_ =	shalt  }
0x5b: {  	_ =	shalt  }
0x5c: {  	_ =	shalt  }
0x5d: {  	_ =	shalt  }
0x5e: {  	_ =	shalt  }
0x5f: {  	_ =	shalt  }
0x60: {  	_ =	shalt  }
0x61: {  	_ =	shalt  }
0x62: {  	_ =	shalt  }
0x63: {  	_ =	shalt  }
0x64: {  	_ =	shalt  }
0x65: {  	_ =	shalt  }
0x66: {  	_ =	shalt  }
0x67: {  	_ =	shalt  }
0x68: {  	_ =	shalt  }
0x69: {  	_ =	shalt  }
0x6a: {  	_ =	shalt  }
0x6b: {  	_ =	shalt  }
0x6c: {  	_ =	shalt  }
0x6d: {  	_ =	shalt  }
0x6e: {  	_ =	shalt  }
0x6f: {  	_ =	shalt  }
0x70: {  	_ =	shalt  }
0x71: {  	_ =	shalt  }
0x72: {  	_ =	shalt  }
0x73: {  	_ =	shalt  }
0x74: {  	_ =	shalt  }
0x75: {  	_ =	shalt  }
0x76: {  	_ =	shalt  }
0x77: {  	_ =	shalt  }
0x78: {  	_ =	shalt  }
0x79: {  	_ =	shalt  }
0x7a: {  	_ =	shalt  }
0x7b: {  	_ =	shalt  }
0x7c: {  	_ =	shalt  }
0x7d: {  	_ =	shalt  }
0x7e: {  	_ =	shalt  }
0x7f: {  	_ =	shalt  }
0x80: {  	_ =	shalt  }
0x81: {  	_ =	shalt  }
0x82: {  	_ =	shalt  }
0x83: {  	_ =	shalt  }
0x84: {  	_ =	shalt  }
0x85: {  	_ =	shalt  }
0x86: {  	_ =	shalt  }
0x87: {  	_ =	shalt  }
.Lfunc_end0:
.L_simem_size_0:
called_computation_lowered:
.L_overlay_start_0:
0x88: {  	s0 =	sld [smem:$0x3FD9]  }
0x89: {  	s1 =	sld [smem:$0x3FFE];
	_ =	sdelay $0x3  }
0x8a: {  	s0 =	sadd.s32 s1, s0  }
0x8b: {  	[smem:$0x3FC4] =	sst s0  }
0x8c: {  	_ = 	snop  }
0x8d: {  	s0 =	sld [smem:$0x3FD0];
	(tm) =	ssettm $0x1  }
0x8e: {  	s16 =	sld [smem:$0x3FFB];
	_ =	sdelay $0x3  }
0x8f: {  	_ =	strace s16  }
0x90: {  	s1 =	sld [smem:$0x3FFC];
	_ =	sdelay $0x3  }
0x91: {  	_ =	strace s1  }
0x92: {  	s1 =	sld [smem:$0x3FFD];
	_ =	sdelay $0x3  }
0x93: {  	_ =	strace s1  }
0x94: {  	_ =	strace $0x8FFFFFFF  }
0x95: {  	s17 =	sld [smem:$0x3FDB];
	_ =	sdelay $0x1  }
0x96: {  	s2 =	simm.s32 $_scs_section_size  }
0x97: {  	s3 =	simm.s32 $_size__tile_overlayer_lowered;
	s4 =	simm.s32 $_tile_overlayer_lowered  }
0x98: {  	s20 =	simm.s32 $0x1BFF;
	s19 =	sshll.u32 s4, $0x1;
	s1 =	sadd.s32 s2, s17  }
0x99: {  	s5 =	simm.s32 $0x0;
	s18 =	sshll.u32 s3, $0x1;
	s3 =	sadd.s32 s19, s1  }
0x9a: {  	[timem:s5], [sflag:s20] =	dma.local [hbm:s3], s18  }
0x9b: {  	_ =	swait.ge [sflag:s20], s18  }
0x9c: {  	s2 =	ssub.s32 $0x0, s18;
	[sflag:s20] =	ssyncset.done $0x0  }
0x9d: {  	[sflag:s20] =	ssyncadd.s32 s2;
	_ =	sdelay $0x1  }
0x9e: {  	s21 =	simm.s32 $0x1B8B  }
0x9f: {  	_ =	swait.ge [sflag:s21], $0x1  }
0xa0: {  	[sflag:s21] =	ssyncset.done $0x0  }
0xa1: {  	s23 =	simm.s32 $0x1B8E;
	s22 =	sld [smem:$0x3FFE];
	[sflag:s21] =	ssyncadd.s32 $0xFFFFFFFF  }
0xa2: {  	s24 =	simm.s32 $execute0_lowered;
	[smem:$0x3FD2] =	sst s23  }
0xa3: {  	s3 =	sshll.u32 s24, $0x1;
	_ =	strace $0x80000046;
	[dreg:$0x1] =	wrdreg $0xFFFFFFFF  }
0xa4: {  	s25 =	simm.s32 $_size_execute0_lowered;
	s1 =	sadd.s32 s1, s3;
	[dreg:$0x0] =	wrdreg $0x0  }
0xa5: {  	s3 =	sshll.u32 s25, $0x1;
	[dreg:$0x2] =	wrdreg s1  }
0xa6: {  	[dreg:$0x3] =	wrdreg s3  }
0xa7: {  	[dreg:$0x4] =	wrdreg $0xC0  }
0xa8: {  	_ =	task [dreg:s5], $0x5FFFF  }
0xa9: {  	[dreg:$0x1] =	wrdreg $0xFFFFFFFF  }
0xaa: {  	[dreg:$0x0] =	wrdreg $0x60  }
0xab: {  	[dreg:$0x2] =	wrdreg s22  }
0xac: {  	[dreg:$0x3] =	wrdreg s0  }
0xad: {  	[dreg:$0x4] =	wrdreg $0x4D800  }
0xae: {  	[dreg:$0x5] =	wrdreg $0x9  }
0xaf: {  	_ =	task.clear_ibuf [dreg:s5], $0x6FFFF;
	_ =	strace $0x90000046  }
0xb0: {  	s26 =	simm.s32 $0x9;
	_ =	strace $0x80000048  }
0xb1: {  	_ =	swait.ge [sflag:s26], $0x1  }
0xb2: {  	[sflag:s26] =	ssyncadd.s32 $0xFFFFFFFF  }
0xb3: {  	_ =	strace $0x90000048  }
0xb4: {  	_ =	sfence  }
0xb5: {  	s28 =	sld [smem:$0x0];
	_ =	sdelay $0x1  }
0xb6: {  	s29 =	srdreg.scid  }
0xb7: {  	s30 =	sshll.u32 s29, $0xD;
	s31 =	sshrl.u32 s29, $0x2  }
0xb8: {  	s2 =	sand.u32 $0x4000, s30;
	s1 =	sand.u32 $0x1, s29;
	s0 =	sadd.s32 s31, s28  }
0xb9: {  	s1 =	sor.u32 s2, s1;
	s0 =	sshll.u32 s0, $0x11  }
0xba: {  	s0 =	sor.u32 s0, s1  }
0xbb: {  	s0 =	sadd.s32 $0x8F2B, s0  }
0xbc: {  	[sflag:s0] =	ssyncadd.remote.s32 $0x1  }
0xbd: {  	_ =	sfence.sel $0xFFFF  }
0xbe: {  	[dreg:$0x0] =	wrdreg $0xFFFFFFFF;
	(pc) =	sbr.abs _section_cstart, $3  }
0xbf: {  	[dreg:$0x1] =	wrdreg $0xFFFFFFFF  }
0xc0: {  	_ =	task.clear_ibuf [dreg:s5], $0x2FFFF;
	_ =	strace $0x9FFFFFFF  }
0xc1: {  	(tm) =	ssettm $0x7FFFFFFF  }
tec
execute0_lowered:
.L_overlay_start_1:
0x0: {  	(tag) =	ssettag $0x1  }
0x1: {  	s2 =	rddreg [dreg:$0x0]  }
0x2: {  	s3 =	rddreg [dreg:$0x1]  }
0x3: {  	s6 =	rddreg [dreg:$0x2]  }
0x4: {  	s0 =	rddreg [dreg:$0x3];
	s9 =	simm.s32 $0x0  }
0x5: {  	[smem:$0x7FF] =	sst s9  }
0x6: {  	s1 =	stileid.u32;
	s7 =	simm.s32 $0x1C00;
	_ =	strace $0x80000047  }
0x7: {  	[tilespmem:s7], [sflag:$0x1] =	stream.linear.gather [hbm4b:s3+s9], $0x80, $0x38;
	[tilespmem:$0x7E80] =	vst v63  }
0x8: {  	s8 =	simm.s32 $0x1C80;
	s22 =	sadd.s32 $0x3800, s2;
	s4 =	smul.u32 $0x380, s1  }
0x9: {  	[tilespmem:s8], [sflag:$0x1] =	stream.linear.gather [hbm4b:s22+s9], $0x3100, $0x38;
	[tilespmem:$0x7E80] =	vst v63  }
0xa: {  	s23 =	sadd.s32 s2, s4;
	s3 =	simm.s32 $0x1  }
0xb: {  	[tilespmem:s9], [sflag:$0x1] =	stream.linear.gather [hbm4b:s23+s9], $0x1900, $0x38;
	[tilespmem:$0x7E80] =	vst v63  }
0xc: {  	s5 =	smul.u32 $0x3100, s1;
	_ =	swait.ge [sflag:s3], $0x3100  }
0xd: {  	[sflag:s3] =	ssyncset.done $0x0  }
0xe: {  	s4 =	sadd.s32 s5, s6;
	[sflag:s3] =	ssyncadd.s32 $0xFFFFCF00  }
0xf: {  	[spmem:s4] =	stream.linear.scatter [tilespmem:s8], [sflag:$0x1], $0x3100, $0x38;
	[tilespmem:$0x7E80] =	vst v63  }
0x10: {  	_ =	swait.ge [sflag:s3], $0x80  }
0x11: {  	[sflag:s3] =	ssyncset.done $0x0  }
0x12: {  	[sflag:s3] =	ssyncadd.s32 $0xFFFFFF80  }
0x13: {  	_ =	swait.ge [sflag:s3], $0x1900  }
0x14: {  	[sflag:s3] =	ssyncset.done $0x0  }
0x15: {  	[sflag:s3] =	ssyncadd.s32 $0xFFFFE700  }
0x16: {  	_ =	swait.ge [sflag:s3], $0x3100  }
0x17: {  	[sflag:s3] =	ssyncset.done $0x0  }
0x18: {  	[sflag:s3] =	ssyncadd.s32 $0xFFFFCF00  }
0x19: {  	s8 =	simm.s32 $0x80;
	[bflag:$0x0] =	sbarrier.arrive $0xFFFF  }
0x1a: {  	[spmem:s6] =	stream.indirect.scatter.add.f32 [tilespmem:s7], [sflag:$0x1], $0x1, s9, s8, $0xb8;
	[tilespmem:$0x7E80] =	vst v63  }
0x1b: {  	_ = 	snop  }
0x1c: {  	[spmem:s6] =	stream.indirect.scatter.add.f32 [tilespmem:s7], [sflag:$0x1], $0x1, s8, s8, $0xb8;
	[tilespmem:$0x7E80] =	vst v63  }
0x1d: {  	s24 =	simm.s32 $0x100  }
0x1e: {  	[spmem:s6] =	stream.indirect.scatter.add.f32 [tilespmem:s7], [sflag:$0x1], $0x1, s24, s8, $0xb8;
	[tilespmem:$0x7E80] =	vst v63  }
0x1f: {  	s25 =	simm.s32 $0x180  }
0x20: {  	[spmem:s6] =	stream.indirect.scatter.add.f32 [tilespmem:s7], [sflag:$0x1], $0x1, s25, s8, $0xb8;
	[tilespmem:$0x7E80] =	vst v63  }
0x21: {  	s26 =	simm.s32 $0x200  }
0x22: {  	[spmem:s6] =	stream.indirect.scatter.add.f32 [tilespmem:s7], [sflag:$0x1], $0x1, s26, s8, $0xb8;
	[tilespmem:$0x7E80] =	vst v63  }
0x23: {  	s28 =	simm.s32 $0x280  }
0x24: {  	[spmem:s6] =	stream.indirect.scatter.add.f32 [tilespmem:s7], [sflag:$0x1], $0x1, s28, s8, $0xb8;
	[tilespmem:$0x7E80] =	vst v63  }
0x25: {  	s29 =	simm.s32 $0x300  }
0x26: {  	[spmem:s6] =	stream.indirect.scatter.add.f32 [tilespmem:s7], [sflag:$0x1], $0x1, s29, s8, $0xb8;
	[tilespmem:$0x7E80] =	vst v63  }
0x27: {  	s30 =	simm.s32 $0x380  }
0x28: {  	[spmem:s6] =	stream.indirect.scatter.add.f32 [tilespmem:s7], [sflag:$0x1], $0x1, s30, s8, $0xb8;
	[tilespmem:$0x7E80] =	vst v63  }
0x29: {  	s31 =	simm.s32 $0x400  }
0x2a: {  	[spmem:s6] =	stream.indirect.scatter.add.f32 [tilespmem:s7], [sflag:$0x1], $0x1, s31, s8, $0xb8;
	[tilespmem:$0x7E80] =	vst v63  }
0x2b: {  	s10 =	simm.s32 $0x480  }
0x2c: {  	[spmem:s6] =	stream.indirect.scatter.add.f32 [tilespmem:s7], [sflag:$0x1], $0x1, s10, s8, $0xb8;
	[tilespmem:$0x7E80] =	vst v63  }
0x2d: {  	s11 =	simm.s32 $0x500  }
0x2e: {  	[spmem:s6] =	stream.indirect.scatter.add.f32 [tilespmem:s7], [sflag:$0x1], $0x1, s11, s8, $0xb8;
	[tilespmem:$0x7E80] =	vst v63  }
0x2f: {  	s12 =	simm.s32 $0x580  }
0x30: {  	[spmem:s6] =	stream.indirect.scatter.add.f32 [tilespmem:s7], [sflag:$0x1], $0x1, s12, s8, $0xb8;
	[tilespmem:$0x7E80] =	vst v63  }
0x31: {  	s13 =	simm.s32 $0x600  }
0x32: {  	[spmem:s6] =	stream.indirect.scatter.add.f32 [tilespmem:s7], [sflag:$0x1], $0x1, s13, s8, $0xb8;
	[tilespmem:$0x7E80] =	vst v63  }
0x33: {  	s14 =	simm.s32 $0x680  }
0x34: {  	[spmem:s6] =	stream.indirect.scatter.add.f32 [tilespmem:s7], [sflag:$0x1], $0x1, s14, s8, $0xb8;
	[tilespmem:$0x7E80] =	vst v63  }
0x35: {  	s15 =	simm.s32 $0x700  }
0x36: {  	[spmem:s6] =	stream.indirect.scatter.add.f32 [tilespmem:s7], [sflag:$0x1], $0x1, s15, s8, $0xb8;
	[tilespmem:$0x7E80] =	vst v63  }
0x37: {  	s16 =	simm.s32 $0x780  }
0x38: {  	[spmem:s6] =	stream.indirect.scatter.add.f32 [tilespmem:s7], [sflag:$0x1], $0x1, s16, s8, $0xb8;
	[tilespmem:$0x7E80] =	vst v63  }
0x39: {  	s17 =	simm.s32 $0x800  }
0x3a: {  	[spmem:s6] =	stream.indirect.scatter.add.f32 [tilespmem:s7], [sflag:$0x1], $0x1, s17, s8, $0xb8;
	[tilespmem:$0x7E80] =	vst v63  }
0x3b: {  	s18 =	simm.s32 $0x880  }
0x3c: {  	[spmem:s6] =	stream.indirect.scatter.add.f32 [tilespmem:s7], [sflag:$0x1], $0x1, s18, s8, $0xb8;
	[tilespmem:$0x7E80] =	vst v63  }
0x3d: {  	s19 =	simm.s32 $0x900  }
0x3e: {  	[spmem:s6] =	stream.indirect.scatter.add.f32 [tilespmem:s7], [sflag:$0x1], $0x1, s19, s8, $0xb8;
	[tilespmem:$0x7E80] =	vst v63  }
0x3f: {  	s20 =	simm.s32 $0x980  }
0x40: {  	[spmem:s6] =	stream.indirect.scatter.add.f32 [tilespmem:s7], [sflag:$0x1], $0x1, s20, s8, $0xb8;
	[tilespmem:$0x7E80] =	vst v63  }
0x41: {  	s21 =	simm.s32 $0xA00  }
0x42: {  	[spmem:s6] =	stream.indirect.scatter.add.f32 [tilespmem:s7], [sflag:$0x1], $0x1, s21, s8, $0xb8;
	[tilespmem:$0x7E80] =	vst v63  }
0x43: {  	s22 =	simm.s32 $0xA80  }
0x44: {  	[spmem:s6] =	stream.indirect.scatter.add.f32 [tilespmem:s7], [sflag:$0x1], $0x1, s22, s8, $0xb8;
	[tilespmem:$0x7E80] =	vst v63  }
0x45: {  	s23 =	simm.s32 $0xB00  }
0x46: {  	[spmem:s6] =	stream.indirect.scatter.add.f32 [tilespmem:s7], [sflag:$0x1], $0x1, s23, s8, $0xb8;
	[tilespmem:$0x7E80] =	vst v63  }
0x47: {  	s24 =	simm.s32 $0xB80  }
0x48: {  	[spmem:s6] =	stream.indirect.scatter.add.f32 [tilespmem:s7], [sflag:$0x1], $0x1, s24, s8, $0xb8;
	[tilespmem:$0x7E80] =	vst v63  }
0x49: {  	s25 =	simm.s32 $0xC00  }
0x4a: {  	[spmem:s6] =	stream.indirect.scatter.add.f32 [tilespmem:s7], [sflag:$0x1], $0x1, s25, s8, $0xb8;
	[tilespmem:$0x7E80] =	vst v63  }
0x4b: {  	s26 =	simm.s32 $0xC80  }
0x4c: {  	[spmem:s6] =	stream.indirect.scatter.add.f32 [tilespmem:s7], [sflag:$0x1], $0x1, s26, s8, $0xb8;
	[tilespmem:$0x7E80] =	vst v63  }
0x4d: {  	s28 =	simm.s32 $0xD00  }
0x4e: {  	[spmem:s6] =	stream.indirect.scatter.add.f32 [tilespmem:s7], [sflag:$0x1], $0x1, s28, s8, $0xb8;
	[tilespmem:$0x7E80] =	vst v63  }
0x4f: {  	s29 =	simm.s32 $0xD80  }
0x50: {  	[spmem:s6] =	stream.indirect.scatter.add.f32 [tilespmem:s7], [sflag:$0x1], $0x1, s29, s8, $0xb8;
	[tilespmem:$0x7E80] =	vst v63  }
0x51: {  	s30 =	simm.s32 $0xE00  }
0x52: {  	[spmem:s6] =	stream.indirect.scatter.add.f32 [tilespmem:s7], [sflag:$0x1], $0x1, s30, s8, $0xb8;
	[tilespmem:$0x7E80] =	vst v63  }
0x53: {  	s31 =	simm.s32 $0xE80  }
0x54: {  	[spmem:s6] =	stream.indirect.scatter.add.f32 [tilespmem:s7], [sflag:$0x1], $0x1, s31, s8, $0xb8;
	[tilespmem:$0x7E80] =	vst v63  }
0x55: {  	s10 =	simm.s32 $0xF00  }
0x56: {  	[spmem:s6] =	stream.indirect.scatter.add.f32 [tilespmem:s7], [sflag:$0x1], $0x1, s10, s8, $0xb8;
	[tilespmem:$0x7E80] =	vst v63  }
0x57: {  	s11 =	simm.s32 $0xF80  }
0x58: {  	[spmem:s6] =	stream.indirect.scatter.add.f32 [tilespmem:s7], [sflag:$0x1], $0x1, s11, s8, $0xb8;
	[tilespmem:$0x7E80] =	vst v63  }
0x59: {  	s12 =	simm.s32 $0x1000  }
0x5a: {  	[spmem:s6] =	stream.indirect.scatter.add.f32 [tilespmem:s7], [sflag:$0x1], $0x1, s12, s8, $0xb8;
	[tilespmem:$0x7E80] =	vst v63  }
0x5b: {  	s13 =	simm.s32 $0x1080  }
0x5c: {  	[spmem:s6] =	stream.indirect.scatter.add.f32 [tilespmem:s7], [sflag:$0x1], $0x1, s13, s8, $0xb8;
	[tilespmem:$0x7E80] =	vst v63  }
0x5d: {  	s14 =	simm.s32 $0x1100  }
0x5e: {  	[spmem:s6] =	stream.indirect.scatter.add.f32 [tilespmem:s7], [sflag:$0x1], $0x1, s14, s8, $0xb8;
	[tilespmem:$0x7E80] =	vst v63  }
0x5f: {  	s15 =	simm.s32 $0x1180  }
0x60: {  	[spmem:s6] =	stream.indirect.scatter.add.f32 [tilespmem:s7], [sflag:$0x1], $0x1, s15, s8, $0xb8;
	[tilespmem:$0x7E80] =	vst v63  }
0x61: {  	s16 =	simm.s32 $0x1200  }
0x62: {  	[spmem:s6] =	stream.indirect.scatter.add.f32 [tilespmem:s7], [sflag:$0x1], $0x1, s16, s8, $0xb8;
	[tilespmem:$0x7E80] =	vst v63  }
0x63: {  	s17 =	simm.s32 $0x1280  }
0x64: {  	[spmem:s6] =	stream.indirect.scatter.add.f32 [tilespmem:s7], [sflag:$0x1], $0x1, s17, s8, $0xb8;
	[tilespmem:$0x7E80] =	vst v63  }
0x65: {  	s18 =	simm.s32 $0x1300  }
0x66: {  	[spmem:s6] =	stream.indirect.scatter.add.f32 [tilespmem:s7], [sflag:$0x1], $0x1, s18, s8, $0xb8;
	[tilespmem:$0x7E80] =	vst v63  }
0x67: {  	s19 =	simm.s32 $0x1380  }
0x68: {  	[spmem:s6] =	stream.indirect.scatter.add.f32 [tilespmem:s7], [sflag:$0x1], $0x1, s19, s8, $0xb8;
	[tilespmem:$0x7E80] =	vst v63  }
0x69: {  	s20 =	simm.s32 $0x1400  }
0x6a: {  	[spmem:s6] =	stream.indirect.scatter.add.f32 [tilespmem:s7], [sflag:$0x1], $0x1, s20, s8, $0xb8;
	[tilespmem:$0x7E80] =	vst v63  }
0x6b: {  	s21 =	simm.s32 $0x1480  }
0x6c: {  	[spmem:s6] =	stream.indirect.scatter.add.f32 [tilespmem:s7], [sflag:$0x1], $0x1, s21, s8, $0xb8;
	[tilespmem:$0x7E80] =	vst v63  }
0x6d: {  	s22 =	simm.s32 $0x1500  }
0x6e: {  	[spmem:s6] =	stream.indirect.scatter.add.f32 [tilespmem:s7], [sflag:$0x1], $0x1, s22, s8, $0xb8;
	[tilespmem:$0x7E80] =	vst v63  }
0x6f: {  	s23 =	simm.s32 $0x1580  }
0x70: {  	[spmem:s6] =	stream.indirect.scatter.add.f32 [tilespmem:s7], [sflag:$0x1], $0x1, s23, s8, $0xb8;
	[tilespmem:$0x7E80] =	vst v63  }
0x71: {  	s24 =	simm.s32 $0x1600  }
0x72: {  	[spmem:s6] =	stream.indirect.scatter.add.f32 [tilespmem:s7], [sflag:$0x1], $0x1, s24, s8, $0xb8;
	[tilespmem:$0x7E80] =	vst v63  }
0x73: {  	s25 =	simm.s32 $0x1680  }
0x74: {  	[spmem:s6] =	stream.indirect.scatter.add.f32 [tilespmem:s7], [sflag:$0x1], $0x1, s25, s8, $0xb8;
	[tilespmem:$0x7E80] =	vst v63  }
0x75: {  	s26 =	simm.s32 $0x1700  }
0x76: {  	[spmem:s6] =	stream.indirect.scatter.add.f32 [tilespmem:s7], [sflag:$0x1], $0x1, s26, s8, $0xb8;
	[tilespmem:$0x7E80] =	vst v63  }
0x77: {  	s28 =	simm.s32 $0x1780  }
0x78: {  	[spmem:s6] =	stream.indirect.scatter.add.f32 [tilespmem:s7], [sflag:$0x1], $0x1, s28, s8, $0xb8;
	[tilespmem:$0x7E80] =	vst v63  }
0x79: {  	s29 =	simm.s32 $0x1800  }
0x7a: {  	[spmem:s6] =	stream.indirect.scatter.add.f32 [tilespmem:s7], [sflag:$0x1], $0x1, s29, s8, $0xb8;
	[tilespmem:$0x7E80] =	vst v63  }
0x7b: {  	s30 =	simm.s32 $0x1880  }
0x7c: {  	[spmem:s6] =	stream.indirect.scatter.add.f32 [tilespmem:s7], [sflag:$0x1], $0x1, s30, s8, $0xb8;
	[tilespmem:$0x7E80] =	vst v63  }
0x7d: {  	_ =	swait.ge [sflag:s3], $0x80  }
0x7e: {  	[sflag:s3] =	ssyncset.done $0x0  }
0x7f: {  	[sflag:s3] =	ssyncadd.s32 $0xFFFFFF80  }
0x80: {  	_ =	swait.ge [sflag:s3], $0x80  }
0x81: {  	[sflag:s3] =	ssyncset.done $0x0  }
0x82: {  	[sflag:s3] =	ssyncadd.s32 $0xFFFFFF80  }
0x83: {  	_ =	swait.ge [sflag:s3], $0x80  }
0x84: {  	[sflag:s3] =	ssyncset.done $0x0  }
0x85: {  	[sflag:s3] =	ssyncadd.s32 $0xFFFFFF80  }
0x86: {  	_ =	swait.ge [sflag:s3], $0x80  }
0x87: {  	[sflag:s3] =	ssyncset.done $0x0  }
0x88: {  	[sflag:s3] =	ssyncadd.s32 $0xFFFFFF80  }
0x89: {  	_ =	swait.ge [sflag:s3], $0x80  }
0x8a: {  	[sflag:s3] =	ssyncset.done $0x0  }
0x8b: {  	[sflag:s3] =	ssyncadd.s32 $0xFFFFFF80  }
0x8c: {  	_ =	swait.ge [sflag:s3], $0x80  }
0x8d: {  	[sflag:s3] =	ssyncset.done $0x0  }
0x8e: {  	[sflag:s3] =	ssyncadd.s32 $0xFFFFFF80  }
0x8f: {  	_ =	swait.ge [sflag:s3], $0x80  }
0x90: {  	[sflag:s3] =	ssyncset.done $0x0  }
0x91: {  	[sflag:s3] =	ssyncadd.s32 $0xFFFFFF80  }
0x92: {  	_ =	swait.ge [sflag:s3], $0x80  }
0x93: {  	[sflag:s3] =	ssyncset.done $0x0  }
0x94: {  	[sflag:s3] =	ssyncadd.s32 $0xFFFFFF80  }
0x95: {  	_ =	swait.ge [sflag:s3], $0x80  }
0x96: {  	[sflag:s3] =	ssyncset.done $0x0  }
0x97: {  	[sflag:s3] =	ssyncadd.s32 $0xFFFFFF80  }
0x98: {  	_ =	swait.ge [sflag:s3], $0x80  }
0x99: {  	[sflag:s3] =	ssyncset.done $0x0  }
0x9a: {  	[sflag:s3] =	ssyncadd.s32 $0xFFFFFF80  }
0x9b: {  	_ =	swait.ge [sflag:s3], $0x80  }
0x9c: {  	[sflag:s3] =	ssyncset.done $0x0  }
0x9d: {  	[sflag:s3] =	ssyncadd.s32 $0xFFFFFF80  }
0x9e: {  	_ =	swait.ge [sflag:s3], $0x80  }
0x9f: {  	[sflag:s3] =	ssyncset.done $0x0  }
0xa0: {  	[sflag:s3] =	ssyncadd.s32 $0xFFFFFF80  }
0xa1: {  	_ =	swait.ge [sflag:s3], $0x80  }
0xa2: {  	[sflag:s3] =	ssyncset.done $0x0  }
0xa3: {  	[sflag:s3] =	ssyncadd.s32 $0xFFFFFF80  }
0xa4: {  	_ =	swait.ge [sflag:s3], $0x80  }
0xa5: {  	[sflag:s3] =	ssyncset.done $0x0  }
0xa6: {  	[sflag:s3] =	ssyncadd.s32 $0xFFFFFF80  }
0xa7: {  	_ =	swait.ge [sflag:s3], $0x80  }
0xa8: {  	[sflag:s3] =	ssyncset.done $0x0  }
0xa9: {  	[sflag:s3] =	ssyncadd.s32 $0xFFFFFF80  }
0xaa: {  	_ =	swait.ge [sflag:s3], $0x80  }
0xab: {  	[sflag:s3] =	ssyncset.done $0x0  }
0xac: {  	[sflag:s3] =	ssyncadd.s32 $0xFFFFFF80  }
0xad: {  	_ =	swait.ge [sflag:s3], $0x80  }
0xae: {  	[sflag:s3] =	ssyncset.done $0x0  }
0xaf: {  	[sflag:s3] =	ssyncadd.s32 $0xFFFFFF80  }
0xb0: {  	_ =	swait.ge [sflag:s3], $0x80  }
0xb1: {  	[sflag:s3] =	ssyncset.done $0x0  }
0xb2: {  	[sflag:s3] =	ssyncadd.s32 $0xFFFFFF80  }
0xb3: {  	_ =	swait.ge [sflag:s3], $0x80  }
0xb4: {  	[sflag:s3] =	ssyncset.done $0x0  }
0xb5: {  	[sflag:s3] =	ssyncadd.s32 $0xFFFFFF80  }
0xb6: {  	_ =	swait.ge [sflag:s3], $0x80  }
0xb7: {  	[sflag:s3] =	ssyncset.done $0x0  }
0xb8: {  	[sflag:s3] =	ssyncadd.s32 $0xFFFFFF80  }
0xb9: {  	_ =	swait.ge [sflag:s3], $0x80  }
0xba: {  	[sflag:s3] =	ssyncset.done $0x0  }
0xbb: {  	[sflag:s3] =	ssyncadd.s32 $0xFFFFFF80  }
0xbc: {  	_ =	swait.ge [sflag:s3], $0x80  }
0xbd: {  	[sflag:s3] =	ssyncset.done $0x0  }
0xbe: {  	[sflag:s3] =	ssyncadd.s32 $0xFFFFFF80  }
0xbf: {  	_ =	swait.ge [sflag:s3], $0x80  }
0xc0: {  	[sflag:s3] =	ssyncset.done $0x0  }
0xc1: {  	[sflag:s3] =	ssyncadd.s32 $0xFFFFFF80  }
0xc2: {  	_ =	swait.ge [sflag:s3], $0x80  }
0xc3: {  	[sflag:s3] =	ssyncset.done $0x0  }
0xc4: {  	[sflag:s3] =	ssyncadd.s32 $0xFFFFFF80  }
0xc5: {  	_ =	swait.ge [sflag:s3], $0x80  }
0xc6: {  	[sflag:s3] =	ssyncset.done $0x0  }
0xc7: {  	[sflag:s3] =	ssyncadd.s32 $0xFFFFFF80  }
0xc8: {  	_ =	swait.ge [sflag:s3], $0x80  }
0xc9: {  	[sflag:s3] =	ssyncset.done $0x0  }
0xca: {  	[sflag:s3] =	ssyncadd.s32 $0xFFFFFF80  }
0xcb: {  	_ =	swait.ge [sflag:s3], $0x80  }
0xcc: {  	[sflag:s3] =	ssyncset.done $0x0  }
0xcd: {  	[sflag:s3] =	ssyncadd.s32 $0xFFFFFF80  }
0xce: {  	_ =	swait.ge [sflag:s3], $0x80  }
0xcf: {  	[sflag:s3] =	ssyncset.done $0x0  }
0xd0: {  	[sflag:s3] =	ssyncadd.s32 $0xFFFFFF80  }
0xd1: {  	_ =	swait.ge [sflag:s3], $0x80  }
0xd2: {  	[sflag:s3] =	ssyncset.done $0x0  }
0xd3: {  	[sflag:s3] =	ssyncadd.s32 $0xFFFFFF80  }
0xd4: {  	_ =	swait.ge [sflag:s3], $0x80  }
0xd5: {  	[sflag:s3] =	ssyncset.done $0x0  }
0xd6: {  	[sflag:s3] =	ssyncadd.s32 $0xFFFFFF80  }
0xd7: {  	_ =	swait.ge [sflag:s3], $0x80  }
0xd8: {  	[sflag:s3] =	ssyncset.done $0x0  }
0xd9: {  	[sflag:s3] =	ssyncadd.s32 $0xFFFFFF80  }
0xda: {  	_ =	swait.ge [sflag:s3], $0x80  }
0xdb: {  	[sflag:s3] =	ssyncset.done $0x0  }
0xdc: {  	[sflag:s3] =	ssyncadd.s32 $0xFFFFFF80  }
0xdd: {  	_ =	swait.ge [sflag:s3], $0x80  }
0xde: {  	[sflag:s3] =	ssyncset.done $0x0  }
0xdf: {  	[sflag:s3] =	ssyncadd.s32 $0xFFFFFF80  }
0xe0: {  	_ =	swait.ge [sflag:s3], $0x80  }
0xe1: {  	[sflag:s3] =	ssyncset.done $0x0  }
0xe2: {  	[sflag:s3] =	ssyncadd.s32 $0xFFFFFF80  }
0xe3: {  	_ =	swait.ge [sflag:s3], $0x80  }
0xe4: {  	[sflag:s3] =	ssyncset.done $0x0  }
0xe5: {  	[sflag:s3] =	ssyncadd.s32 $0xFFFFFF80  }
0xe6: {  	_ =	swait.ge [sflag:s3], $0x80  }
0xe7: {  	[sflag:s3] =	ssyncset.done $0x0  }
0xe8: {  	[sflag:s3] =	ssyncadd.s32 $0xFFFFFF80  }
0xe9: {  	_ =	swait.ge [sflag:s3], $0x80  }
0xea: {  	[sflag:s3] =	ssyncset.done $0x0  }
0xeb: {  	[sflag:s3] =	ssyncadd.s32 $0xFFFFFF80  }
0xec: {  	_ =	swait.ge [sflag:s3], $0x80  }
0xed: {  	[sflag:s3] =	ssyncset.done $0x0  }
0xee: {  	[sflag:s3] =	ssyncadd.s32 $0xFFFFFF80  }
0xef: {  	_ =	swait.ge [sflag:s3], $0x80  }
0xf0: {  	[sflag:s3] =	ssyncset.done $0x0  }
0xf1: {  	[sflag:s3] =	ssyncadd.s32 $0xFFFFFF80  }
0xf2: {  	_ =	swait.ge [sflag:s3], $0x80  }
0xf3: {  	[sflag:s3] =	ssyncset.done $0x0  }
0xf4: {  	[sflag:s3] =	ssyncadd.s32 $0xFFFFFF80  }
0xf5: {  	_ =	swait.ge [sflag:s3], $0x80  }
0xf6: {  	[sflag:s3] =	ssyncset.done $0x0  }
0xf7: {  	[sflag:s3] =	ssyncadd.s32 $0xFFFFFF80  }
0xf8: {  	_ =	swait.ge [sflag:s3], $0x80  }
0xf9: {  	[sflag:s3] =	ssyncset.done $0x0  }
0xfa: {  	[sflag:s3] =	ssyncadd.s32 $0xFFFFFF80  }
0xfb: {  	_ =	swait.ge [sflag:s3], $0x80  }
0xfc: {  	[sflag:s3] =	ssyncset.done $0x0  }
0xfd: {  	[sflag:s3] =	ssyncadd.s32 $0xFFFFFF80  }
0xfe: {  	_ =	swait.ge [sflag:s3], $0x80  }
0xff: {  	[sflag:s3] =	ssyncset.done $0x0  }
0x100: {  	[sflag:s3] =	ssyncadd.s32 $0xFFFFFF80  }
0x101: {  	_ =	swait.ge [sflag:s3], $0x80  }
0x102: {  	[sflag:s3] =	ssyncset.done $0x0  }
0x103: {  	[sflag:s3] =	ssyncadd.s32 $0xFFFFFF80  }
0x104: {  	_ =	swait.ge [sflag:s3], $0x80  }
0x105: {  	[sflag:s3] =	ssyncset.done $0x0  }
0x106: {  	[sflag:s3] =	ssyncadd.s32 $0xFFFFFF80  }
0x107: {  	_ =	swait.ge [sflag:s3], $0x80  }
0x108: {  	[sflag:s3] =	ssyncset.done $0x0  }
0x109: {  	[sflag:s3] =	ssyncadd.s32 $0xFFFFFF80  }
0x10a: {  	_ =	swait.ge [sflag:s3], $0x80  }
0x10b: {  	[sflag:s3] =	ssyncset.done $0x0  }
0x10c: {  	[sflag:s3] =	ssyncadd.s32 $0xFFFFFF80  }
0x10d: {  	_ =	swait.ge [sflag:s3], $0x80  }
0x10e: {  	[sflag:s3] =	ssyncset.done $0x0  }
0x10f: {  	[sflag:s3] =	ssyncadd.s32 $0xFFFFFF80  }
0x110: {  	s5 =	sshrl.u32 s5, $0x3;
	_ =	swait.ge [sflag:s3], $0x80  }
0x111: {  	s2 =	sadd.s32 s5, s2;
	[sflag:s3] =	ssyncset.done $0x0  }
0x112: {  	s2 =	sadd.s32 $0x4000, s2;
	s31 =	sshll.u32 s1, $0x6;
	[sflag:s3] =	ssyncadd.s32 $0xFFFFFF80  }
0x113: {  	s4 =	sshrl.u32 s4, $0x3;
	s5 =	sor.u32 $0x1C01, s31;
	[bflag:$0x0] =	sbarrier.arrive $0xFFFF  }
0x114: {  	[hbm:s2], [sflag:s5] =	dma.local [spmem:s4], $0x620  }
0x115: {  	_ =	swait.ge [sflag:s3], $0x620  }
0x116: {  	[sflag:s3] =	ssyncset.done $0x0  }
0x117: {  	[sflag:s3] =	ssyncadd.s32 $0xFFFFF9E0  }
0x118: {  	_ =	sfence.sel $0x180000  }
0x119: {  	[bflag:$0x0] =	sbarrier.arrive $0xFFFF  }
0x11a: {  	p0 =	sne.s32 s1, $0x0;
	_ =	strace $0x90000047  }
0x11b: {  	s0 =	sadd.s32 @!p0 $0x100000, s0;
	[bflag:$0x2] =	sbarrier.arrive $0xFFFF  }
0x11c: {  	[sflag:s0] =	ssyncadd.tile.s32 @!p0 $0x1;
	_ =	shalt  }
.Lfunc_end2:
_tile_overlayer_lowered:
.L_overlay_start_2:
0x11d: {  	(tag) =	ssettag $0x2  }
0x11e: {  	s0 =	rddreg [dreg:$0x0];
	s2 =	stileid.u32  }
0x11f: {  	s1 =	rddreg [dreg:$0x1];
	p0 =	sne.s32 s2, $0x0  }
0x120: {  	s3 =	rddreg [dreg:$0x2];
	[bflag:$0x3] =	sbarrier.arrive $0xFFFF;
	s2 =	simm.s32 @!p0 $0x1C02  }
0x121: {  	[timem:s3], [sflag:s2] =	dma.local @!p0 [hbm:s0], s1  }
0x122: {  	s0 =	simm.s32 @!p0 $0x2  }
0x123: {  	_ =	swait.ge @!p0 [sflag:s0], s1  }
0x124: {  	s1 =	ssub.s32 @!p0 $0x0, s1;
	[sflag:s0] =	ssyncset.done @!p0 $0x0  }
0x125: {  	[sflag:s0] =	ssyncadd.s32 @!p0 s1  }
0x126: {  	[bflag:$0x3] =	sbarrier.arrive $0xFFFF  }
0x127: {  	_ =	shalt  }

</sc_bundles>
